<compile_context>
chip_gen: v7x
topology: tpu7x:2x2x1
jax: 0.10.2.dev20260603
libtpu: 0.0.44.dev20260713+nightly
codegen_flags: <defaults>
</compile_context>

<pallas_src>
import functools

import jax
import jax.numpy as jnp
from jax import lax
from jax.experimental import pallas as pl
from jax.experimental.pallas import tpu as pltpu
from jax.experimental.pallas import tpu_sc as plsc

N_ROWS = 100000
EMB = 128
OUT_D = 480
ZPAD = OUT_D - EMB

NW = 32
CHUNK = 128
CHP = 25
SLAB = CHUNK * CHP
NBUF = 4


def _t2_body(tp_ref, w_ref, o_ref):
    mm = jnp.dot(tp_ref[...], w_ref[...], preferred_element_type=jnp.float32)
    o_ref[...] = mm * (1.0 / (EMB ** 0.5))


_t2_call = pl.pallas_call(
    _t2_body,
    out_shape=jax.ShapeDtypeStruct((EMB, EMB), jnp.float32),
)


@functools.cache
def _make_sc_gather():
    @functools.partial(
        pl.kernel,
        out_type=jax.ShapeDtypeStruct((N_ROWS, OUT_D), jnp.float32),
        mesh=plsc.VectorSubcoreMesh(core_axis_name="c", subcore_axis_name="s"),
        scratch_types=[
            pltpu.VMEM((SLAB,), jnp.int32),
            pltpu.VMEM((NBUF, CHUNK, EMB), jnp.float32),
            pltpu.VMEM((CHUNK, ZPAD), jnp.float32),
            pltpu.VMEM_SHARED((EMB, EMB), jnp.float32),
            pltpu.SemaphoreType.DMA((NBUF,)),
            pltpu.SemaphoreType.DMA((NBUF,)),
            pltpu.SemaphoreType.DMA,
            pltpu.SemaphoreType.DMA,
        ],
    )
    def _sc_gather(t2_hbm, z_hbm, out_hbm, idx_v, rows_v, zbuf_v, t2_sh,
                   gsem, wsem, zsem, isem):
        wid = lax.axis_index("s") * 2 + lax.axis_index("c")
        bw = jnp.minimum(wid * SLAB, N_ROWS - SLAB)

        @pl.when(lax.axis_index("s") == 0)
        def _():
            pltpu.sync_copy(t2_hbm, rows_v.at[0])
            pltpu.sync_copy(rows_v.at[0], t2_sh)

        i_desc = pltpu.make_async_copy(z_hbm.at[pl.ds(bw, SLAB)], idx_v, isem)
        i_desc.start()

        def zrow(r, carry):
            def zcol(c2, carry2):
                zbuf_v[r, pl.ds(c2 * 16, 16)] = jnp.zeros((16,), jnp.float32)
                return carry2
            return lax.fori_loop(0, ZPAD // 16, zcol, carry)
        lax.fori_loop(0, CHUNK, zrow, 0)

        def g_copy(k, b):
            return pltpu.make_async_copy(
                t2_sh.at[idx_v.at[pl.ds(k * CHUNK, CHUNK)]],
                rows_v.at[b], gsem.at[b])

        def w_copy(k, b):
            return pltpu.make_async_copy(
                rows_v.at[b],
                out_hbm.at[pl.ds(bw + k * CHUNK, CHUNK), pl.ds(0, EMB)],
                wsem.at[b])

        def z_copy(k):
            return pltpu.make_async_copy(
                zbuf_v,
                out_hbm.at[pl.ds(bw + k * CHUNK, CHUNK), pl.ds(EMB, ZPAD)],
                zsem)

        for k in range(CHP):
            z_copy(k).start()

        i_desc.wait()
        plsc.subcore_barrier()

        for b in range(NBUF):
            g_copy(b, b).start()

        def tail(k, b):
            g_copy(k, b).wait()
            w_copy(k, b).start()

        for k in range(NBUF - 1):
            tail(k, k)

        def body(j, carry):
            for o in range(NBUF):
                k = NBUF * j + NBUF + o
                b = o
                w_copy(k - NBUF, b).wait()
                g_copy(k, b).start()
                tail(k - 1, (o + NBUF - 1) % NBUF)
            return carry
        lax.fori_loop(0, (CHP - NBUF - 1) // NBUF, body, 0)

        w_copy(CHP - 1 - NBUF, 0).wait()
        g_copy(CHP - 1, 0).start()
        tail(CHP - 2, (CHP - 2) % NBUF)
        tail(CHP - 1, (CHP - 1) % NBUF)
        for k in range(CHP - NBUF, CHP):
            w_copy(k, k % NBUF).wait()
        for k in range(CHP):
            z_copy(k).wait()

    return _sc_gather


def kernel(z, table, W):
    tp = jnp.pad(table, ((0, EMB - table.shape[0]), (0, 0)))
    t2 = _t2_call(tp, W)
    return _make_sc_gather()(t2, z.astype(jnp.int32))

# --- scband reference (transcript-rebuilt; emitter-appended) ---
"""Pipeline reference for scband-atom-embedding-13116830122170 (READ-ONLY COPY).

The authoritative reference and input builder live on the scoring server;
editing this copy changes nothing except your own understanding.
"""

import jax, jax.numpy as jnp
import numpy as np

N_ATOMS = 100000
NUM_EMBEDS = 118
EMBED_DIM = 128
L1_DIM = 64
L2_DIM = 32
# e3nn o3.Linear from '128x0e' to '128x0e + 64x1o + 32x2o':
# only the 0e->0e path is allowed by equivariance; 1o and 2o outputs are zero
# (no bias by default). The 0e->0e path is a dense matmul with weights drawn
# from N(0,1) and normalized by 1/sqrt(fan_in) at apply time ('element' norm,
# single path so path_weight = 1).
ZERO_DIM = 3 * L1_DIM + 5 * L2_DIM  # 192 + 160 = 352


def setup_inputs(seed: int = 0) -> dict:
    key = jax.random.key(seed)
    k1, k2, k3 = jax.random.split(key, 3)
    z = jax.random.randint(k1, (N_ATOMS,), 0, NUM_EMBEDS, dtype=jnp.int64 if jax.config.jax_enable_x64 else jnp.int32)
    table = jax.random.normal(k2, (NUM_EMBEDS, EMBED_DIM), dtype=jnp.float32)
    W = jax.random.normal(k3, (EMBED_DIM, EMBED_DIM), dtype=jnp.float32)
    return {"z": z, "table": table, "W": W}


def reference(z, table, W):
    # embedding lookup
    embeds = jnp.take(table, z, axis=0)  # [N, EMBED_DIM]
    # o3.Linear 0e->0e path: x @ W / sqrt(fan_in)
    out_0e = (embeds @ W) / jnp.sqrt(jnp.float32(EMBED_DIM))  # [N, EMBED_DIM]
    # 1o (dim 3 each) and 2o (dim 5 each) outputs have no allowed path from 0e input -> zeros
    out_rest = jnp.zeros((embeds.shape[0], ZERO_DIM), dtype=embeds.dtype)
    return jnp.concatenate([out_0e, out_rest], axis=-1)  # [N, 480]

if __name__ == "__main__":
    import jax
    _d = setup_inputs()
    print(jax.jit(kernel)(*tuple(_d.values())))

</pallas_src>

<mosaic_0001>
#map = affine_map<(d0, d1) -> (0, 0)>
#map1 = affine_map<(d0, d1) -> (0)>
module attributes {stable_mosaic.version = 14 : i64} {
  func.func @_sc_gather(%arg0: i32, %arg1: i32, %arg2: memref<128x128xf32, #tpu.memory_space<hbm>>, %arg3: memref<100000xi32, #tpu.memory_space<hbm>>, %arg4: memref<100000x480xf32, #tpu.memory_space<hbm>>, %arg5: memref<3200xi32, #tpu.memory_space<vmem>>, %arg6: memref<4x128x128xf32, #tpu.memory_space<vmem>>, %arg7: memref<128x352xf32, #tpu.memory_space<vmem>>, %arg8: memref<128x128xf32, #tpu.memory_space<vmem_shared>>, %arg9: memref<4x!tpu.dma_semaphore, #tpu.memory_space<semaphore_mem>>, %arg10: memref<4x!tpu.dma_semaphore, #tpu.memory_space<semaphore_mem>>, %arg11: memref<!tpu.dma_semaphore, #tpu.memory_space<semaphore_mem>>, %arg12: memref<!tpu.dma_semaphore, #tpu.memory_space<semaphore_mem>>) attributes {dimension_semantics = [#tpu.dimension_semantics<core_parallel>, #tpu.dimension_semantics<subcore_parallel>], iteration_bounds = array<i64: 2, 16>, scalar_prefetch = 0 : i64, scratch_operands = 8 : i64, tpu.core_type = #tpu.core_type<sc_vector_subcore>, window_params = [{transform_indices = #map}, {transform_indices = #map1}, {transform_indices = #map}]} {
    %mul3A = arith.constant 2 : i32
    %mul3A_0 = arith.muli %arg1, %mul3A : i32
    %add3A = arith.addi %mul3A_0, %arg0 : i32
    %mul3A_1 = arith.constant 3200 : i32
    %mul3A_2 = arith.muli %add3A, %mul3A_1 : i32
    %min3A = arith.constant 96800 : i32
    %min3A_3 = arith.minsi %mul3A_2, %min3A : i32
    %eq3A = arith.constant 0 : i32
    %eq3A_4 = arith.cmpi eq, %arg1, %eq3A : i32
    %convert_element_type3A = arith.extui %eq3A_4 : i1 to i32
    %cond3A = arith.constant 0 : i32
    %cond3A_5 = arith.cmpi ne, %convert_element_type3A, %cond3A : i32
    scf.if %cond3A_5 {
      %run_scoped3A = arith.constant 0 : i32
      "tpu.region"() ({
        %run_scoped3A_630 = tpu.sem_alloc : memref<!tpu.dma_semaphore, #tpu.memory_space<semaphore_mem>>
        %dma_start3A_631 = arith.constant 0 : i32
        %dma_start3A_632 = arith.constant 0 : i32
        %dma_start3A_633 = tpu.memref_slice %arg6[%run_scoped3A, %dma_start3A_631, %dma_start3A_632] : memref<4x128x128xf32, #tpu.memory_space<vmem>> -> memref<1x128x128xf32, #tpu.memory_space<vmem>>
        %dma_start3A_634 = tpu.memref_squeeze %dma_start3A_633 : memref<1x128x128xf32, #tpu.memory_space<vmem>> -> memref<128x128xf32, #tpu.memory_space<vmem>>
        %dma_start3A_635 = arith.constant 0 : i32
        %dma_start3A_636 = arith.constant 0 : i32
        %dma_start3A_637 = tpu.memref_slice %arg6[%run_scoped3A, %dma_start3A_635, %dma_start3A_636] : memref<4x128x128xf32, #tpu.memory_space<vmem>> -> memref<1x128x128xf32, #tpu.memory_space<vmem>>
        %dma_start3A_638 = tpu.memref_squeeze %dma_start3A_637 : memref<1x128x128xf32, #tpu.memory_space<vmem>> -> memref<128x128xf32, #tpu.memory_space<vmem>>
        tpu.enqueue_dma source(%arg2 : memref<128x128xf32, #tpu.memory_space<hbm>>) target(%dma_start3A_638 : memref<128x128xf32, #tpu.memory_space<vmem>>) target_semaphore(%run_scoped3A_630 : memref<!tpu.dma_semaphore, #tpu.memory_space<semaphore_mem>>)
        %dma_wait3A_639 = arith.constant 0 : i32
        %dma_wait3A_640 = arith.constant 0 : i32
        %dma_wait3A_641 = tpu.memref_slice %arg6[%run_scoped3A, %dma_wait3A_639, %dma_wait3A_640] : memref<4x128x128xf32, #tpu.memory_space<vmem>> -> memref<1x128x128xf32, #tpu.memory_space<vmem>>
        %dma_wait3A_642 = tpu.memref_squeeze %dma_wait3A_641 : memref<1x128x128xf32, #tpu.memory_space<vmem>> -> memref<128x128xf32, #tpu.memory_space<vmem>>
        %dma_wait3A_643 = arith.constant 0 : i32
        %dma_wait3A_644 = arith.constant 0 : i32
        %dma_wait3A_645 = tpu.memref_slice %arg6[%run_scoped3A, %dma_wait3A_643, %dma_wait3A_644] : memref<4x128x128xf32, #tpu.memory_space<vmem>> -> memref<1x128x128xf32, #tpu.memory_space<vmem>>
        %dma_wait3A_646 = tpu.memref_squeeze %dma_wait3A_645 : memref<1x128x128xf32, #tpu.memory_space<vmem>> -> memref<128x128xf32, #tpu.memory_space<vmem>>
        tpu.wait_dma2 semaphore(%run_scoped3A_630 : memref<!tpu.dma_semaphore, #tpu.memory_space<semaphore_mem>>) src(%arg2 : memref<128x128xf32, #tpu.memory_space<hbm>>) dst(%dma_wait3A_646 : memref<128x128xf32, #tpu.memory_space<vmem>>)
        tpu.yield
      }) : () -> ()
      %run_scoped3A_629 = arith.constant 0 : i32
      "tpu.region"() ({
        %run_scoped3A_630 = tpu.sem_alloc : memref<!tpu.dma_semaphore, #tpu.memory_space<semaphore_mem>>
        %dma_start3A_631 = arith.constant 0 : i32
        %dma_start3A_632 = arith.constant 0 : i32
        %dma_start3A_633 = tpu.memref_slice %arg6[%run_scoped3A_629, %dma_start3A_631, %dma_start3A_632] : memref<4x128x128xf32, #tpu.memory_space<vmem>> -> memref<1x128x128xf32, #tpu.memory_space<vmem>>
        %dma_start3A_634 = tpu.memref_squeeze %dma_start3A_633 : memref<1x128x128xf32, #tpu.memory_space<vmem>> -> memref<128x128xf32, #tpu.memory_space<vmem>>
        %dma_start3A_635 = arith.constant 0 : i32
        %dma_start3A_636 = arith.constant 0 : i32
        %dma_start3A_637 = tpu.memref_slice %arg6[%run_scoped3A_629, %dma_start3A_635, %dma_start3A_636] : memref<4x128x128xf32, #tpu.memory_space<vmem>> -> memref<1x128x128xf32, #tpu.memory_space<vmem>>
        %dma_start3A_638 = tpu.memref_squeeze %dma_start3A_637 : memref<1x128x128xf32, #tpu.memory_space<vmem>> -> memref<128x128xf32, #tpu.memory_space<vmem>>
        tpu.enqueue_dma source(%dma_start3A_638 : memref<128x128xf32, #tpu.memory_space<vmem>>) target(%arg8 : memref<128x128xf32, #tpu.memory_space<vmem_shared>>) target_semaphore(%run_scoped3A_630 : memref<!tpu.dma_semaphore, #tpu.memory_space<semaphore_mem>>)
        %dma_wait3A_639 = arith.constant 0 : i32
        %dma_wait3A_640 = arith.constant 0 : i32
        %dma_wait3A_641 = tpu.memref_slice %arg6[%run_scoped3A_629, %dma_wait3A_639, %dma_wait3A_640] : memref<4x128x128xf32, #tpu.memory_space<vmem>> -> memref<1x128x128xf32, #tpu.memory_space<vmem>>
        %dma_wait3A_642 = tpu.memref_squeeze %dma_wait3A_641 : memref<1x128x128xf32, #tpu.memory_space<vmem>> -> memref<128x128xf32, #tpu.memory_space<vmem>>
        %dma_wait3A_643 = arith.constant 0 : i32
        %dma_wait3A_644 = arith.constant 0 : i32
        %dma_wait3A_645 = tpu.memref_slice %arg6[%run_scoped3A_629, %dma_wait3A_643, %dma_wait3A_644] : memref<4x128x128xf32, #tpu.memory_space<vmem>> -> memref<1x128x128xf32, #tpu.memory_space<vmem>>
        %dma_wait3A_646 = tpu.memref_squeeze %dma_wait3A_645 : memref<1x128x128xf32, #tpu.memory_space<vmem>> -> memref<128x128xf32, #tpu.memory_space<vmem>>
        tpu.wait_dma2 semaphore(%run_scoped3A_630 : memref<!tpu.dma_semaphore, #tpu.memory_space<semaphore_mem>>) src(%dma_wait3A_646 : memref<128x128xf32, #tpu.memory_space<vmem>>) dst(%arg8 : memref<128x128xf32, #tpu.memory_space<vmem_shared>>)
        tpu.yield
      }) : () -> ()
    } else {
    }
    %dma_start3A = tpu.memref_slice %arg3[%min3A_3] : memref<100000xi32, #tpu.memory_space<hbm>> -> memref<3200xi32, #tpu.memory_space<hbm>>
    %dma_start3A_6 = tpu.memref_slice %arg3[%min3A_3] : memref<100000xi32, #tpu.memory_space<hbm>> -> memref<3200xi32, #tpu.memory_space<hbm>>
    tpu.enqueue_dma source(%dma_start3A_6 : memref<3200xi32, #tpu.memory_space<hbm>>) target(%arg5 : memref<3200xi32, #tpu.memory_space<vmem>>) target_semaphore(%arg12 : memref<!tpu.dma_semaphore, #tpu.memory_space<semaphore_mem>>)
    %scan3A = arith.constant 0 : i32
    %scan3A_7 = arith.constant 0 : i32
    %scan3A_8 = arith.constant 128 : i32
    %scan3A_9 = arith.addi %scan3A_7, %scan3A_8 : i32
    %scan3A_10 = arith.constant 1 : i32
    scf.for %scan3A_629 = %scan3A_7 to %scan3A_9 step %scan3A_10  : i32 {
      %scan3A_630 = arith.constant 0 : i32
      %scan3A_631 = arith.constant 22 : i32
      %scan3A_632 = arith.addi %scan3A_630, %scan3A_631 : i32
      %scan3A_633 = arith.constant 1 : i32
      scf.for %scan3A_635 = %scan3A_630 to %scan3A_632 step %scan3A_633  : i32 {
        %broadcast_in_dim3A = arith.constant 0.000000e+00 : f32
        %broadcast_in_dim3A_636 = vector.broadcast %broadcast_in_dim3A : f32 to vector<16xf32>
        %mul3A_637 = arith.constant 16 : i32
        %mul3A_638 = arith.muli %scan3A_635, %mul3A_637 : i32
        %swap3A = arith.index_cast %scan3A_629 : i32 to index
        %swap3A_639 = arith.index_cast %mul3A_638 : i32 to index
        %swap3A_640 = tpu.vector_load %arg7[%swap3A, %swap3A_639] {strides = array<i32>} : memref<128x352xf32, #tpu.memory_space<vmem>>, vector<1x16xf32>,
        %swap3A_641 = vector.shape_cast %swap3A_640 : vector<1x16xf32> to vector<16xf32>
        %swap3A_642 = vector.shape_cast %broadcast_in_dim3A_636 : vector<16xf32> to vector<1x16xf32>
        tpu.vector_store %arg7[%swap3A, %swap3A_639], %swap3A_642 {strides = array<i32>} : memref<128x352xf32, #tpu.memory_space<vmem>>, vector<1x16xf32>,
      }
      %scan3A_634 = arith.constant 22 : i32
    }
    %scan3A_11 = arith.constant 128 : i32
    %add3A_12 = arith.constant 0 : i32
    %add3A_13 = arith.addi %min3A_3, %add3A_12 : i32
    %dma_start3A_14 = arith.constant 128 : i32
    %dma_start3A_15 = tpu.memref_slice %arg4[%add3A_13, %dma_start3A_14] : memref<100000x480xf32, #tpu.memory_space<hbm>> -> memref<128x352xf32, #tpu.memory_space<hbm>>
    %dma_start3A_16 = arith.constant 128 : i32
    %dma_start3A_17 = tpu.memref_slice %arg4[%add3A_13, %dma_start3A_16] : memref<100000x480xf32, #tpu.memory_space<hbm>> -> memref<128x352xf32, #tpu.memory_space<hbm>>
    tpu.enqueue_dma source(%arg7 : memref<128x352xf32, #tpu.memory_space<vmem>>) target(%dma_start3A_17 : memref<128x352xf32, #tpu.memory_space<hbm>>) target_semaphore(%arg11 : memref<!tpu.dma_semaphore, #tpu.memory_space<semaphore_mem>>)
    %add3A_18 = arith.constant 128 : i32
    %add3A_19 = arith.addi %min3A_3, %add3A_18 : i32
    %dma_start3A_20 = arith.constant 128 : i32
    %dma_start3A_21 = tpu.memref_slice %arg4[%add3A_19, %dma_start3A_20] : memref<100000x480xf32, #tpu.memory_space<hbm>> -> memref<128x352xf32, #tpu.memory_space<hbm>>
    %dma_start3A_22 = arith.constant 128 : i32
    %dma_start3A_23 = tpu.memref_slice %arg4[%add3A_19, %dma_start3A_22] : memref<100000x480xf32, #tpu.memory_space<hbm>> -> memref<128x352xf32, #tpu.memory_space<hbm>>
    tpu.enqueue_dma source(%arg7 : memref<128x352xf32, #tpu.memory_space<vmem>>) target(%dma_start3A_23 : memref<128x352xf32, #tpu.memory_space<hbm>>) target_semaphore(%arg11 : memref<!tpu.dma_semaphore, #tpu.memory_space<semaphore_mem>>)
    %add3A_24 = arith.constant 256 : i32
    %add3A_25 = arith.addi %min3A_3, %add3A_24 : i32
    %dma_start3A_26 = arith.constant 128 : i32
    %dma_start3A_27 = tpu.memref_slice %arg4[%add3A_25, %dma_start3A_26] : memref<100000x480xf32, #tpu.memory_space<hbm>> -> memref<128x352xf32, #tpu.memory_space<hbm>>
    %dma_start3A_28 = arith.constant 128 : i32
    %dma_start3A_29 = tpu.memref_slice %arg4[%add3A_25, %dma_start3A_28] : memref<100000x480xf32, #tpu.memory_space<hbm>> -> memref<128x352xf32, #tpu.memory_space<hbm>>
    tpu.enqueue_dma source(%arg7 : memref<128x352xf32, #tpu.memory_space<vmem>>) target(%dma_start3A_29 : memref<128x352xf32, #tpu.memory_space<hbm>>) target_semaphore(%arg11 : memref<!tpu.dma_semaphore, #tpu.memory_space<semaphore_mem>>)
    %add3A_30 = arith.constant 384 : i32
    %add3A_31 = arith.addi %min3A_3, %add3A_30 : i32
    %dma_start3A_32 = arith.constant 128 : i32
    %dma_start3A_33 = tpu.memref_slice %arg4[%add3A_31, %dma_start3A_32] : memref<100000x480xf32, #tpu.memory_space<hbm>> -> memref<128x352xf32, #tpu.memory_space<hbm>>
    %dma_start3A_34 = arith.constant 128 : i32
    %dma_start3A_35 = tpu.memref_slice %arg4[%add3A_31, %dma_start3A_34] : memref<100000x480xf32, #tpu.memory_space<hbm>> -> memref<128x352xf32, #tpu.memory_space<hbm>>
    tpu.enqueue_dma source(%arg7 : memref<128x352xf32, #tpu.memory_space<vmem>>) target(%dma_start3A_35 : memref<128x352xf32, #tpu.memory_space<hbm>>) target_semaphore(%arg11 : memref<!tpu.dma_semaphore, #tpu.memory_space<semaphore_mem>>)
    %add3A_36 = arith.constant 512 : i32
    %add3A_37 = arith.addi %min3A_3, %add3A_36 : i32
    %dma_start3A_38 = arith.constant 128 : i32
    %dma_start3A_39 = tpu.memref_slice %arg4[%add3A_37, %dma_start3A_38] : memref<100000x480xf32, #tpu.memory_space<hbm>> -> memref<128x352xf32, #tpu.memory_space<hbm>>
    %dma_start3A_40 = arith.constant 128 : i32
    %dma_start3A_41 = tpu.memref_slice %arg4[%add3A_37, %dma_start3A_40] : memref<100000x480xf32, #tpu.memory_space<hbm>> -> memref<128x352xf32, #tpu.memory_space<hbm>>
    tpu.enqueue_dma source(%arg7 : memref<128x352xf32, #tpu.memory_space<vmem>>) target(%dma_start3A_41 : memref<128x352xf32, #tpu.memory_space<hbm>>) target_semaphore(%arg11 : memref<!tpu.dma_semaphore, #tpu.memory_space<semaphore_mem>>)
    %add3A_42 = arith.constant 640 : i32
    %add3A_43 = arith.addi %min3A_3, %add3A_42 : i32
    %dma_start3A_44 = arith.constant 128 : i32
    %dma_start3A_45 = tpu.memref_slice %arg4[%add3A_43, %dma_start3A_44] : memref<100000x480xf32, #tpu.memory_space<hbm>> -> memref<128x352xf32, #tpu.memory_space<hbm>>
    %dma_start3A_46 = arith.constant 128 : i32
    %dma_start3A_47 = tpu.memref_slice %arg4[%add3A_43, %dma_start3A_46] : memref<100000x480xf32, #tpu.memory_space<hbm>> -> memref<128x352xf32, #tpu.memory_space<hbm>>
    tpu.enqueue_dma source(%arg7 : memref<128x352xf32, #tpu.memory_space<vmem>>) target(%dma_start3A_47 : memref<128x352xf32, #tpu.memory_space<hbm>>) target_semaphore(%arg11 : memref<!tpu.dma_semaphore, #tpu.memory_space<semaphore_mem>>)
    %add3A_48 = arith.constant 768 : i32
    %add3A_49 = arith.addi %min3A_3, %add3A_48 : i32
    %dma_start3A_50 = arith.constant 128 : i32
    %dma_start3A_51 = tpu.memref_slice %arg4[%add3A_49, %dma_start3A_50] : memref<100000x480xf32, #tpu.memory_space<hbm>> -> memref<128x352xf32, #tpu.memory_space<hbm>>
    %dma_start3A_52 = arith.constant 128 : i32
    %dma_start3A_53 = tpu.memref_slice %arg4[%add3A_49, %dma_start3A_52] : memref<100000x480xf32, #tpu.memory_space<hbm>> -> memref<128x352xf32, #tpu.memory_space<hbm>>
    tpu.enqueue_dma source(%arg7 : memref<128x352xf32, #tpu.memory_space<vmem>>) target(%dma_start3A_53 : memref<128x352xf32, #tpu.memory_space<hbm>>) target_semaphore(%arg11 : memref<!tpu.dma_semaphore, #tpu.memory_space<semaphore_mem>>)
    %add3A_54 = arith.constant 896 : i32
    %add3A_55 = arith.addi %min3A_3, %add3A_54 : i32
    %dma_start3A_56 = arith.constant 128 : i32
    %dma_start3A_57 = tpu.memref_slice %arg4[%add3A_55, %dma_start3A_56] : memref<100000x480xf32, #tpu.memory_space<hbm>> -> memref<128x352xf32, #tpu.memory_space<hbm>>
    %dma_start3A_58 = arith.constant 128 : i32
    %dma_start3A_59 = tpu.memref_slice %arg4[%add3A_55, %dma_start3A_58] : memref<100000x480xf32, #tpu.memory_space<hbm>> -> memref<128x352xf32, #tpu.memory_space<hbm>>
    tpu.enqueue_dma source(%arg7 : memref<128x352xf32, #tpu.memory_space<vmem>>) target(%dma_start3A_59 : memref<128x352xf32, #tpu.memory_space<hbm>>) target_semaphore(%arg11 : memref<!tpu.dma_semaphore, #tpu.memory_space<semaphore_mem>>)
    %add3A_60 = arith.constant 1024 : i32
    %add3A_61 = arith.addi %min3A_3, %add3A_60 : i32
    %dma_start3A_62 = arith.constant 128 : i32
    %dma_start3A_63 = tpu.memref_slice %arg4[%add3A_61, %dma_start3A_62] : memref<100000x480xf32, #tpu.memory_space<hbm>> -> memref<128x352xf32, #tpu.memory_space<hbm>>
    %dma_start3A_64 = arith.constant 128 : i32
    %dma_start3A_65 = tpu.memref_slice %arg4[%add3A_61, %dma_start3A_64] : memref<100000x480xf32, #tpu.memory_space<hbm>> -> memref<128x352xf32, #tpu.memory_space<hbm>>
    tpu.enqueue_dma source(%arg7 : memref<128x352xf32, #tpu.memory_space<vmem>>) target(%dma_start3A_65 : memref<128x352xf32, #tpu.memory_space<hbm>>) target_semaphore(%arg11 : memref<!tpu.dma_semaphore, #tpu.memory_space<semaphore_mem>>)
    %add3A_66 = arith.constant 1152 : i32
    %add3A_67 = arith.addi %min3A_3, %add3A_66 : i32
    %dma_start3A_68 = arith.constant 128 : i32
    %dma_start3A_69 = tpu.memref_slice %arg4[%add3A_67, %dma_start3A_68] : memref<100000x480xf32, #tpu.memory_space<hbm>> -> memref<128x352xf32, #tpu.memory_space<hbm>>
    %dma_start3A_70 = arith.constant 128 : i32
    %dma_start3A_71 = tpu.memref_slice %arg4[%add3A_67, %dma_start3A_70] : memref<100000x480xf32, #tpu.memory_space<hbm>> -> memref<128x352xf32, #tpu.memory_space<hbm>>
    tpu.enqueue_dma source(%arg7 : memref<128x352xf32, #tpu.memory_space<vmem>>) target(%dma_start3A_71 : memref<128x352xf32, #tpu.memory_space<hbm>>) target_semaphore(%arg11 : memref<!tpu.dma_semaphore, #tpu.memory_space<semaphore_mem>>)
    %add3A_72 = arith.constant 1280 : i32
    %add3A_73 = arith.addi %min3A_3, %add3A_72 : i32
    %dma_start3A_74 = arith.constant 128 : i32
    %dma_start3A_75 = tpu.memref_slice %arg4[%add3A_73, %dma_start3A_74] : memref<100000x480xf32, #tpu.memory_space<hbm>> -> memref<128x352xf32, #tpu.memory_space<hbm>>
    %dma_start3A_76 = arith.constant 128 : i32
    %dma_start3A_77 = tpu.memref_slice %arg4[%add3A_73, %dma_start3A_76] : memref<100000x480xf32, #tpu.memory_space<hbm>> -> memref<128x352xf32, #tpu.memory_space<hbm>>
    tpu.enqueue_dma source(%arg7 : memref<128x352xf32, #tpu.memory_space<vmem>>) target(%dma_start3A_77 : memref<128x352xf32, #tpu.memory_space<hbm>>) target_semaphore(%arg11 : memref<!tpu.dma_semaphore, #tpu.memory_space<semaphore_mem>>)
    %add3A_78 = arith.constant 1408 : i32
    %add3A_79 = arith.addi %min3A_3, %add3A_78 : i32
    %dma_start3A_80 = arith.constant 128 : i32
    %dma_start3A_81 = tpu.memref_slice %arg4[%add3A_79, %dma_start3A_80] : memref<100000x480xf32, #tpu.memory_space<hbm>> -> memref<128x352xf32, #tpu.memory_space<hbm>>
    %dma_start3A_82 = arith.constant 128 : i32
    %dma_start3A_83 = tpu.memref_slice %arg4[%add3A_79, %dma_start3A_82] : memref<100000x480xf32, #tpu.memory_space<hbm>> -> memref<128x352xf32, #tpu.memory_space<hbm>>
    tpu.enqueue_dma source(%arg7 : memref<128x352xf32, #tpu.memory_space<vmem>>) target(%dma_start3A_83 : memref<128x352xf32, #tpu.memory_space<hbm>>) target_semaphore(%arg11 : memref<!tpu.dma_semaphore, #tpu.memory_space<semaphore_mem>>)
    %add3A_84 = arith.constant 1536 : i32
    %add3A_85 = arith.addi %min3A_3, %add3A_84 : i32
    %dma_start3A_86 = arith.constant 128 : i32
    %dma_start3A_87 = tpu.memref_slice %arg4[%add3A_85, %dma_start3A_86] : memref<100000x480xf32, #tpu.memory_space<hbm>> -> memref<128x352xf32, #tpu.memory_space<hbm>>
    %dma_start3A_88 = arith.constant 128 : i32
    %dma_start3A_89 = tpu.memref_slice %arg4[%add3A_85, %dma_start3A_88] : memref<100000x480xf32, #tpu.memory_space<hbm>> -> memref<128x352xf32, #tpu.memory_space<hbm>>
    tpu.enqueue_dma source(%arg7 : memref<128x352xf32, #tpu.memory_space<vmem>>) target(%dma_start3A_89 : memref<128x352xf32, #tpu.memory_space<hbm>>) target_semaphore(%arg11 : memref<!tpu.dma_semaphore, #tpu.memory_space<semaphore_mem>>)
    %add3A_90 = arith.constant 1664 : i32
    %add3A_91 = arith.addi %min3A_3, %add3A_90 : i32
    %dma_start3A_92 = arith.constant 128 : i32
    %dma_start3A_93 = tpu.memref_slice %arg4[%add3A_91, %dma_start3A_92] : memref<100000x480xf32, #tpu.memory_space<hbm>> -> memref<128x352xf32, #tpu.memory_space<hbm>>
    %dma_start3A_94 = arith.constant 128 : i32
    %dma_start3A_95 = tpu.memref_slice %arg4[%add3A_91, %dma_start3A_94] : memref<100000x480xf32, #tpu.memory_space<hbm>> -> memref<128x352xf32, #tpu.memory_space<hbm>>
    tpu.enqueue_dma source(%arg7 : memref<128x352xf32, #tpu.memory_space<vmem>>) target(%dma_start3A_95 : memref<128x352xf32, #tpu.memory_space<hbm>>) target_semaphore(%arg11 : memref<!tpu.dma_semaphore, #tpu.memory_space<semaphore_mem>>)
    %add3A_96 = arith.constant 1792 : i32
    %add3A_97 = arith.addi %min3A_3, %add3A_96 : i32
    %dma_start3A_98 = arith.constant 128 : i32
    %dma_start3A_99 = tpu.memref_slice %arg4[%add3A_97, %dma_start3A_98] : memref<100000x480xf32, #tpu.memory_space<hbm>> -> memref<128x352xf32, #tpu.memory_space<hbm>>
    %dma_start3A_100 = arith.constant 128 : i32
    %dma_start3A_101 = tpu.memref_slice %arg4[%add3A_97, %dma_start3A_100] : memref<100000x480xf32, #tpu.memory_space<hbm>> -> memref<128x352xf32, #tpu.memory_space<hbm>>
    tpu.enqueue_dma source(%arg7 : memref<128x352xf32, #tpu.memory_space<vmem>>) target(%dma_start3A_101 : memref<128x352xf32, #tpu.memory_space<hbm>>) target_semaphore(%arg11 : memref<!tpu.dma_semaphore, #tpu.memory_space<semaphore_mem>>)
    %add3A_102 = arith.constant 1920 : i32
    %add3A_103 = arith.addi %min3A_3, %add3A_102 : i32
    %dma_start3A_104 = arith.constant 128 : i32
    %dma_start3A_105 = tpu.memref_slice %arg4[%add3A_103, %dma_start3A_104] : memref<100000x480xf32, #tpu.memory_space<hbm>> -> memref<128x352xf32, #tpu.memory_space<hbm>>
    %dma_start3A_106 = arith.constant 128 : i32
    %dma_start3A_107 = tpu.memref_slice %arg4[%add3A_103, %dma_start3A_106] : memref<100000x480xf32, #tpu.memory_space<hbm>> -> memref<128x352xf32, #tpu.memory_space<hbm>>
    tpu.enqueue_dma source(%arg7 : memref<128x352xf32, #tpu.memory_space<vmem>>) target(%dma_start3A_107 : memref<128x352xf32, #tpu.memory_space<hbm>>) target_semaphore(%arg11 : memref<!tpu.dma_semaphore, #tpu.memory_space<semaphore_mem>>)
    %add3A_108 = arith.constant 2048 : i32
    %add3A_109 = arith.addi %min3A_3, %add3A_108 : i32
    %dma_start3A_110 = arith.constant 128 : i32
    %dma_start3A_111 = tpu.memref_slice %arg4[%add3A_109, %dma_start3A_110] : memref<100000x480xf32, #tpu.memory_space<hbm>> -> memref<128x352xf32, #tpu.memory_space<hbm>>
    %dma_start3A_112 = arith.constant 128 : i32
    %dma_start3A_113 = tpu.memref_slice %arg4[%add3A_109, %dma_start3A_112] : memref<100000x480xf32, #tpu.memory_space<hbm>> -> memref<128x352xf32, #tpu.memory_space<hbm>>
    tpu.enqueue_dma source(%arg7 : memref<128x352xf32, #tpu.memory_space<vmem>>) target(%dma_start3A_113 : memref<128x352xf32, #tpu.memory_space<hbm>>) target_semaphore(%arg11 : memref<!tpu.dma_semaphore, #tpu.memory_space<semaphore_mem>>)
    %add3A_114 = arith.constant 2176 : i32
    %add3A_115 = arith.addi %min3A_3, %add3A_114 : i32
    %dma_start3A_116 = arith.constant 128 : i32
    %dma_start3A_117 = tpu.memref_slice %arg4[%add3A_115, %dma_start3A_116] : memref<100000x480xf32, #tpu.memory_space<hbm>> -> memref<128x352xf32, #tpu.memory_space<hbm>>
    %dma_start3A_118 = arith.constant 128 : i32
    %dma_start3A_119 = tpu.memref_slice %arg4[%add3A_115, %dma_start3A_118] : memref<100000x480xf32, #tpu.memory_space<hbm>> -> memref<128x352xf32, #tpu.memory_space<hbm>>
    tpu.enqueue_dma source(%arg7 : memref<128x352xf32, #tpu.memory_space<vmem>>) target(%dma_start3A_119 : memref<128x352xf32, #tpu.memory_space<hbm>>) target_semaphore(%arg11 : memref<!tpu.dma_semaphore, #tpu.memory_space<semaphore_mem>>)
    %add3A_120 = arith.constant 2304 : i32
    %add3A_121 = arith.addi %min3A_3, %add3A_120 : i32
    %dma_start3A_122 = arith.constant 128 : i32
    %dma_start3A_123 = tpu.memref_slice %arg4[%add3A_121, %dma_start3A_122] : memref<100000x480xf32, #tpu.memory_space<hbm>> -> memref<128x352xf32, #tpu.memory_space<hbm>>
    %dma_start3A_124 = arith.constant 128 : i32
    %dma_start3A_125 = tpu.memref_slice %arg4[%add3A_121, %dma_start3A_124] : memref<100000x480xf32, #tpu.memory_space<hbm>> -> memref<128x352xf32, #tpu.memory_space<hbm>>
    tpu.enqueue_dma source(%arg7 : memref<128x352xf32, #tpu.memory_space<vmem>>) target(%dma_start3A_125 : memref<128x352xf32, #tpu.memory_space<hbm>>) target_semaphore(%arg11 : memref<!tpu.dma_semaphore, #tpu.memory_space<semaphore_mem>>)
    %add3A_126 = arith.constant 2432 : i32
    %add3A_127 = arith.addi %min3A_3, %add3A_126 : i32
    %dma_start3A_128 = arith.constant 128 : i32
    %dma_start3A_129 = tpu.memref_slice %arg4[%add3A_127, %dma_start3A_128] : memref<100000x480xf32, #tpu.memory_space<hbm>> -> memref<128x352xf32, #tpu.memory_space<hbm>>
    %dma_start3A_130 = arith.constant 128 : i32
    %dma_start3A_131 = tpu.memref_slice %arg4[%add3A_127, %dma_start3A_130] : memref<100000x480xf32, #tpu.memory_space<hbm>> -> memref<128x352xf32, #tpu.memory_space<hbm>>
    tpu.enqueue_dma source(%arg7 : memref<128x352xf32, #tpu.memory_space<vmem>>) target(%dma_start3A_131 : memref<128x352xf32, #tpu.memory_space<hbm>>) target_semaphore(%arg11 : memref<!tpu.dma_semaphore, #tpu.memory_space<semaphore_mem>>)
    %add3A_132 = arith.constant 2560 : i32
    %add3A_133 = arith.addi %min3A_3, %add3A_132 : i32
    %dma_start3A_134 = arith.constant 128 : i32
    %dma_start3A_135 = tpu.memref_slice %arg4[%add3A_133, %dma_start3A_134] : memref<100000x480xf32, #tpu.memory_space<hbm>> -> memref<128x352xf32, #tpu.memory_space<hbm>>
    %dma_start3A_136 = arith.constant 128 : i32
    %dma_start3A_137 = tpu.memref_slice %arg4[%add3A_133, %dma_start3A_136] : memref<100000x480xf32, #tpu.memory_space<hbm>> -> memref<128x352xf32, #tpu.memory_space<hbm>>
    tpu.enqueue_dma source(%arg7 : memref<128x352xf32, #tpu.memory_space<vmem>>) target(%dma_start3A_137 : memref<128x352xf32, #tpu.memory_space<hbm>>) target_semaphore(%arg11 : memref<!tpu.dma_semaphore, #tpu.memory_space<semaphore_mem>>)
    %add3A_138 = arith.constant 2688 : i32
    %add3A_139 = arith.addi %min3A_3, %add3A_138 : i32
    %dma_start3A_140 = arith.constant 128 : i32
    %dma_start3A_141 = tpu.memref_slice %arg4[%add3A_139, %dma_start3A_140] : memref<100000x480xf32, #tpu.memory_space<hbm>> -> memref<128x352xf32, #tpu.memory_space<hbm>>
    %dma_start3A_142 = arith.constant 128 : i32
    %dma_start3A_143 = tpu.memref_slice %arg4[%add3A_139, %dma_start3A_142] : memref<100000x480xf32, #tpu.memory_space<hbm>> -> memref<128x352xf32, #tpu.memory_space<hbm>>
    tpu.enqueue_dma source(%arg7 : memref<128x352xf32, #tpu.memory_space<vmem>>) target(%dma_start3A_143 : memref<128x352xf32, #tpu.memory_space<hbm>>) target_semaphore(%arg11 : memref<!tpu.dma_semaphore, #tpu.memory_space<semaphore_mem>>)
    %add3A_144 = arith.constant 2816 : i32
    %add3A_145 = arith.addi %min3A_3, %add3A_144 : i32
    %dma_start3A_146 = arith.constant 128 : i32
    %dma_start3A_147 = tpu.memref_slice %arg4[%add3A_145, %dma_start3A_146] : memref<100000x480xf32, #tpu.memory_space<hbm>> -> memref<128x352xf32, #tpu.memory_space<hbm>>
    %dma_start3A_148 = arith.constant 128 : i32
    %dma_start3A_149 = tpu.memref_slice %arg4[%add3A_145, %dma_start3A_148] : memref<100000x480xf32, #tpu.memory_space<hbm>> -> memref<128x352xf32, #tpu.memory_space<hbm>>
    tpu.enqueue_dma source(%arg7 : memref<128x352xf32, #tpu.memory_space<vmem>>) target(%dma_start3A_149 : memref<128x352xf32, #tpu.memory_space<hbm>>) target_semaphore(%arg11 : memref<!tpu.dma_semaphore, #tpu.memory_space<semaphore_mem>>)
    %add3A_150 = arith.constant 2944 : i32
    %add3A_151 = arith.addi %min3A_3, %add3A_150 : i32
    %dma_start3A_152 = arith.constant 128 : i32
    %dma_start3A_153 = tpu.memref_slice %arg4[%add3A_151, %dma_start3A_152] : memref<100000x480xf32, #tpu.memory_space<hbm>> -> memref<128x352xf32, #tpu.memory_space<hbm>>
    %dma_start3A_154 = arith.constant 128 : i32
    %dma_start3A_155 = tpu.memref_slice %arg4[%add3A_151, %dma_start3A_154] : memref<100000x480xf32, #tpu.memory_space<hbm>> -> memref<128x352xf32, #tpu.memory_space<hbm>>
    tpu.enqueue_dma source(%arg7 : memref<128x352xf32, #tpu.memory_space<vmem>>) target(%dma_start3A_155 : memref<128x352xf32, #tpu.memory_space<hbm>>) target_semaphore(%arg11 : memref<!tpu.dma_semaphore, #tpu.memory_space<semaphore_mem>>)
    %add3A_156 = arith.constant 3072 : i32
    %add3A_157 = arith.addi %min3A_3, %add3A_156 : i32
    %dma_start3A_158 = arith.constant 128 : i32
    %dma_start3A_159 = tpu.memref_slice %arg4[%add3A_157, %dma_start3A_158] : memref<100000x480xf32, #tpu.memory_space<hbm>> -> memref<128x352xf32, #tpu.memory_space<hbm>>
    %dma_start3A_160 = arith.constant 128 : i32
    %dma_start3A_161 = tpu.memref_slice %arg4[%add3A_157, %dma_start3A_160] : memref<100000x480xf32, #tpu.memory_space<hbm>> -> memref<128x352xf32, #tpu.memory_space<hbm>>
    tpu.enqueue_dma source(%arg7 : memref<128x352xf32, #tpu.memory_space<vmem>>) target(%dma_start3A_161 : memref<128x352xf32, #tpu.memory_space<hbm>>) target_semaphore(%arg11 : memref<!tpu.dma_semaphore, #tpu.memory_space<semaphore_mem>>)
    %dma_wait3A = tpu.memref_slice %arg3[%min3A_3] : memref<100000xi32, #tpu.memory_space<hbm>> -> memref<3200xi32, #tpu.memory_space<hbm>>
    %dma_wait3A_162 = tpu.memref_slice %arg3[%min3A_3] : memref<100000xi32, #tpu.memory_space<hbm>> -> memref<3200xi32, #tpu.memory_space<hbm>>
    tpu.wait_dma2 semaphore(%arg12 : memref<!tpu.dma_semaphore, #tpu.memory_space<semaphore_mem>>) src(%dma_wait3A_162 : memref<3200xi32, #tpu.memory_space<hbm>>) dst(%arg5 : memref<3200xi32, #tpu.memory_space<vmem>>)
    %barrier3A = arith.constant 0 : index
    tpu.barrier barrier_id(%barrier3A)
    %dma_start3A_163 = arith.constant 0 : i32
    %dma_start3A_164 = arith.constant 0 : i32
    %dma_start3A_165 = arith.constant 0 : i32
    %dma_start3A_166 = arith.constant 0 : i32
    %dma_start3A_167 = tpu.memref_slice %arg6[%dma_start3A_163, %dma_start3A_165, %dma_start3A_166] : memref<4x128x128xf32, #tpu.memory_space<vmem>> -> memref<1x128x128xf32, #tpu.memory_space<vmem>>
    %dma_start3A_168 = tpu.memref_squeeze %dma_start3A_167 : memref<1x128x128xf32, #tpu.memory_space<vmem>> -> memref<128x128xf32, #tpu.memory_space<vmem>>
    %dma_start3A_169 = arith.constant 0 : i32
    %dma_start3A_170 = tpu.memref_slice %arg5[%dma_start3A_169] : memref<3200xi32, #tpu.memory_space<vmem>> -> memref<128xi32, #tpu.memory_space<vmem>>
    %dma_start3A_171 = arith.constant 0 : i32
    %dma_start3A_172 = arith.constant 0 : i32
    %dma_start3A_173 = tpu.memref_slice %arg8[%dma_start3A_171, %dma_start3A_172] : memref<128x128xf32, #tpu.memory_space<vmem_shared>> -> memref<128x128xf32, #tpu.memory_space<vmem_shared>>
    %dma_start3A_174 = tpu.memref_slice %arg9[%dma_start3A_164] : memref<4x!tpu.dma_semaphore, #tpu.memory_space<semaphore_mem>> -> memref<1x!tpu.dma_semaphore, #tpu.memory_space<semaphore_mem>>
    %dma_start3A_175 = tpu.memref_squeeze %dma_start3A_174 : memref<1x!tpu.dma_semaphore, #tpu.memory_space<semaphore_mem>> -> memref<!tpu.dma_semaphore, #tpu.memory_space<semaphore_mem>>
    tpu.enqueue_indirect_dma source(%dma_start3A_173 : memref<128x128xf32, #tpu.memory_space<vmem_shared>>) target(%dma_start3A_168 : memref<128x128xf32, #tpu.memory_space<vmem>>) offsets(%dma_start3A_170 : memref<128xi32, #tpu.memory_space<vmem>>) semaphore(%dma_start3A_175 : memref<!tpu.dma_semaphore, #tpu.memory_space<semaphore_mem>>)
    %dma_start3A_176 = arith.constant 1 : i32
    %dma_start3A_177 = arith.constant 1 : i32
    %dma_start3A_178 = arith.constant 0 : i32
    %dma_start3A_179 = arith.constant 0 : i32
    %dma_start3A_180 = tpu.memref_slice %arg6[%dma_start3A_176, %dma_start3A_178, %dma_start3A_179] : memref<4x128x128xf32, #tpu.memory_space<vmem>> -> memref<1x128x128xf32, #tpu.memory_space<vmem>>
    %dma_start3A_181 = tpu.memref_squeeze %dma_start3A_180 : memref<1x128x128xf32, #tpu.memory_space<vmem>> -> memref<128x128xf32, #tpu.memory_space<vmem>>
    %dma_start3A_182 = arith.constant 128 : i32
    %dma_start3A_183 = tpu.memref_slice %arg5[%dma_start3A_182] : memref<3200xi32, #tpu.memory_space<vmem>> -> memref<128xi32, #tpu.memory_space<vmem>>
    %dma_start3A_184 = arith.constant 0 : i32
    %dma_start3A_185 = arith.constant 0 : i32
    %dma_start3A_186 = tpu.memref_slice %arg8[%dma_start3A_184, %dma_start3A_185] : memref<128x128xf32, #tpu.memory_space<vmem_shared>> -> memref<128x128xf32, #tpu.memory_space<vmem_shared>>
    %dma_start3A_187 = tpu.memref_slice %arg9[%dma_start3A_177] : memref<4x!tpu.dma_semaphore, #tpu.memory_space<semaphore_mem>> -> memref<1x!tpu.dma_semaphore, #tpu.memory_space<semaphore_mem>>
    %dma_start3A_188 = tpu.memref_squeeze %dma_start3A_187 : memref<1x!tpu.dma_semaphore, #tpu.memory_space<semaphore_mem>> -> memref<!tpu.dma_semaphore, #tpu.memory_space<semaphore_mem>>
    tpu.enqueue_indirect_dma source(%dma_start3A_186 : memref<128x128xf32, #tpu.memory_space<vmem_shared>>) target(%dma_start3A_181 : memref<128x128xf32, #tpu.memory_space<vmem>>) offsets(%dma_start3A_183 : memref<128xi32, #tpu.memory_space<vmem>>) semaphore(%dma_start3A_188 : memref<!tpu.dma_semaphore, #tpu.memory_space<semaphore_mem>>)
    %dma_start3A_189 = arith.constant 2 : i32
    %dma_start3A_190 = arith.constant 2 : i32
    %dma_start3A_191 = arith.constant 0 : i32
    %dma_start3A_192 = arith.constant 0 : i32
    %dma_start3A_193 = tpu.memref_slice %arg6[%dma_start3A_189, %dma_start3A_191, %dma_start3A_192] : memref<4x128x128xf32, #tpu.memory_space<vmem>> -> memref<1x128x128xf32, #tpu.memory_space<vmem>>
    %dma_start3A_194 = tpu.memref_squeeze %dma_start3A_193 : memref<1x128x128xf32, #tpu.memory_space<vmem>> -> memref<128x128xf32, #tpu.memory_space<vmem>>
    %dma_start3A_195 = arith.constant 256 : i32
    %dma_start3A_196 = tpu.memref_slice %arg5[%dma_start3A_195] : memref<3200xi32, #tpu.memory_space<vmem>> -> memref<128xi32, #tpu.memory_space<vmem>>
    %dma_start3A_197 = arith.constant 0 : i32
    %dma_start3A_198 = arith.constant 0 : i32
    %dma_start3A_199 = tpu.memref_slice %arg8[%dma_start3A_197, %dma_start3A_198] : memref<128x128xf32, #tpu.memory_space<vmem_shared>> -> memref<128x128xf32, #tpu.memory_space<vmem_shared>>
    %dma_start3A_200 = tpu.memref_slice %arg9[%dma_start3A_190] : memref<4x!tpu.dma_semaphore, #tpu.memory_space<semaphore_mem>> -> memref<1x!tpu.dma_semaphore, #tpu.memory_space<semaphore_mem>>
    %dma_start3A_201 = tpu.memref_squeeze %dma_start3A_200 : memref<1x!tpu.dma_semaphore, #tpu.memory_space<semaphore_mem>> -> memref<!tpu.dma_semaphore, #tpu.memory_space<semaphore_mem>>
    tpu.enqueue_indirect_dma source(%dma_start3A_199 : memref<128x128xf32, #tpu.memory_space<vmem_shared>>) target(%dma_start3A_194 : memref<128x128xf32, #tpu.memory_space<vmem>>) offsets(%dma_start3A_196 : memref<128xi32, #tpu.memory_space<vmem>>) semaphore(%dma_start3A_201 : memref<!tpu.dma_semaphore, #tpu.memory_space<semaphore_mem>>)
    %dma_start3A_202 = arith.constant 3 : i32
    %dma_start3A_203 = arith.constant 3 : i32
    %dma_start3A_204 = arith.constant 0 : i32
    %dma_start3A_205 = arith.constant 0 : i32
    %dma_start3A_206 = tpu.memref_slice %arg6[%dma_start3A_202, %dma_start3A_204, %dma_start3A_205] : memref<4x128x128xf32, #tpu.memory_space<vmem>> -> memref<1x128x128xf32, #tpu.memory_space<vmem>>
    %dma_start3A_207 = tpu.memref_squeeze %dma_start3A_206 : memref<1x128x128xf32, #tpu.memory_space<vmem>> -> memref<128x128xf32, #tpu.memory_space<vmem>>
    %dma_start3A_208 = arith.constant 384 : i32
    %dma_start3A_209 = tpu.memref_slice %arg5[%dma_start3A_208] : memref<3200xi32, #tpu.memory_space<vmem>> -> memref<128xi32, #tpu.memory_space<vmem>>
    %dma_start3A_210 = arith.constant 0 : i32
    %dma_start3A_211 = arith.constant 0 : i32
    %dma_start3A_212 = tpu.memref_slice %arg8[%dma_start3A_210, %dma_start3A_211] : memref<128x128xf32, #tpu.memory_space<vmem_shared>> -> memref<128x128xf32, #tpu.memory_space<vmem_shared>>
    %dma_start3A_213 = tpu.memref_slice %arg9[%dma_start3A_203] : memref<4x!tpu.dma_semaphore, #tpu.memory_space<semaphore_mem>> -> memref<1x!tpu.dma_semaphore, #tpu.memory_space<semaphore_mem>>
    %dma_start3A_214 = tpu.memref_squeeze %dma_start3A_213 : memref<1x!tpu.dma_semaphore, #tpu.memory_space<semaphore_mem>> -> memref<!tpu.dma_semaphore, #tpu.memory_space<semaphore_mem>>
    tpu.enqueue_indirect_dma source(%dma_start3A_212 : memref<128x128xf32, #tpu.memory_space<vmem_shared>>) target(%dma_start3A_207 : memref<128x128xf32, #tpu.memory_space<vmem>>) offsets(%dma_start3A_209 : memref<128xi32, #tpu.memory_space<vmem>>) semaphore(%dma_start3A_214 : memref<!tpu.dma_semaphore, #tpu.memory_space<semaphore_mem>>)
    %dma_wait3A_215 = arith.constant 0 : i32
    %dma_wait3A_216 = arith.constant 0 : i32
    %dma_wait3A_217 = arith.constant 0 : i32
    %dma_wait3A_218 = arith.constant 0 : i32
    %dma_wait3A_219 = tpu.memref_slice %arg6[%dma_wait3A_215, %dma_wait3A_217, %dma_wait3A_218] : memref<4x128x128xf32, #tpu.memory_space<vmem>> -> memref<1x128x128xf32, #tpu.memory_space<vmem>>
    %dma_wait3A_220 = tpu.memref_squeeze %dma_wait3A_219 : memref<1x128x128xf32, #tpu.memory_space<vmem>> -> memref<128x128xf32, #tpu.memory_space<vmem>>
    %dma_wait3A_221 = arith.constant 0 : i32
    %dma_wait3A_222 = tpu.memref_slice %arg5[%dma_wait3A_221] : memref<3200xi32, #tpu.memory_space<vmem>> -> memref<128xi32, #tpu.memory_space<vmem>>
    %dma_wait3A_223 = arith.constant 0 : i32
    %dma_wait3A_224 = arith.constant 0 : i32
    %dma_wait3A_225 = tpu.memref_slice %arg8[%dma_wait3A_223, %dma_wait3A_224] : memref<128x128xf32, #tpu.memory_space<vmem_shared>> -> memref<128x128xf32, #tpu.memory_space<vmem_shared>>
    %dma_wait3A_226 = tpu.memref_slice %arg9[%dma_wait3A_216] : memref<4x!tpu.dma_semaphore, #tpu.memory_space<semaphore_mem>> -> memref<1x!tpu.dma_semaphore, #tpu.memory_space<semaphore_mem>>
    %dma_wait3A_227 = tpu.memref_squeeze %dma_wait3A_226 : memref<1x!tpu.dma_semaphore, #tpu.memory_space<semaphore_mem>> -> memref<!tpu.dma_semaphore, #tpu.memory_space<semaphore_mem>>
    tpu.wait_indirect_dma semaphore(%dma_wait3A_227 : memref<!tpu.dma_semaphore, #tpu.memory_space<semaphore_mem>>) src(%dma_wait3A_225 : memref<128x128xf32, #tpu.memory_space<vmem_shared>>) dst(%dma_wait3A_220 : memref<128x128xf32, #tpu.memory_space<vmem>>)
    %add3A_228 = arith.constant 0 : i32
    %add3A_229 = arith.addi %min3A_3, %add3A_228 : i32
    %dma_start3A_230 = arith.constant 0 : i32
    %dma_start3A_231 = arith.constant 0 : i32
    %dma_start3A_232 = arith.constant 0 : i32
    %dma_start3A_233 = arith.constant 0 : i32
    %dma_start3A_234 = tpu.memref_slice %arg6[%dma_start3A_230, %dma_start3A_232, %dma_start3A_233] : memref<4x128x128xf32, #tpu.memory_space<vmem>> -> memref<1x128x128xf32, #tpu.memory_space<vmem>>
    %dma_start3A_235 = tpu.memref_squeeze %dma_start3A_234 : memref<1x128x128xf32, #tpu.memory_space<vmem>> -> memref<128x128xf32, #tpu.memory_space<vmem>>
    %dma_start3A_236 = arith.constant 0 : i32
    %dma_start3A_237 = tpu.memref_slice %arg4[%add3A_229, %dma_start3A_236] : memref<100000x480xf32, #tpu.memory_space<hbm>> -> memref<128x128xf32, #tpu.memory_space<hbm>>
    %dma_start3A_238 = tpu.memref_slice %arg10[%dma_start3A_231] : memref<4x!tpu.dma_semaphore, #tpu.memory_space<semaphore_mem>> -> memref<1x!tpu.dma_semaphore, #tpu.memory_space<semaphore_mem>>
    %dma_start3A_239 = tpu.memref_squeeze %dma_start3A_238 : memref<1x!tpu.dma_semaphore, #tpu.memory_space<semaphore_mem>> -> memref<!tpu.dma_semaphore, #tpu.memory_space<semaphore_mem>>
    %dma_start3A_240 = arith.constant 0 : i32
    %dma_start3A_241 = tpu.memref_slice %arg4[%add3A_229, %dma_start3A_240] : memref<100000x480xf32, #tpu.memory_space<hbm>> -> memref<128x128xf32, #tpu.memory_space<hbm>>
    %dma_start3A_242 = arith.constant 0 : i32
    %dma_start3A_243 = arith.constant 0 : i32
    %dma_start3A_244 = tpu.memref_slice %arg6[%dma_start3A_230, %dma_start3A_242, %dma_start3A_243] : memref<4x128x128xf32, #tpu.memory_space<vmem>> -> memref<1x128x128xf32, #tpu.memory_space<vmem>>
    %dma_start3A_245 = tpu.memref_squeeze %dma_start3A_244 : memref<1x128x128xf32, #tpu.memory_space<vmem>> -> memref<128x128xf32, #tpu.memory_space<vmem>>
    tpu.enqueue_dma source(%dma_start3A_245 : memref<128x128xf32, #tpu.memory_space<vmem>>) target(%dma_start3A_241 : memref<128x128xf32, #tpu.memory_space<hbm>>) target_semaphore(%dma_start3A_239 : memref<!tpu.dma_semaphore, #tpu.memory_space<semaphore_mem>>)
    %dma_wait3A_246 = arith.constant 1 : i32
    %dma_wait3A_247 = arith.constant 1 : i32
    %dma_wait3A_248 = arith.constant 0 : i32
    %dma_wait3A_249 = arith.constant 0 : i32
    %dma_wait3A_250 = tpu.memref_slice %arg6[%dma_wait3A_246, %dma_wait3A_248, %dma_wait3A_249] : memref<4x128x128xf32, #tpu.memory_space<vmem>> -> memref<1x128x128xf32, #tpu.memory_space<vmem>>
    %dma_wait3A_251 = tpu.memref_squeeze %dma_wait3A_250 : memref<1x128x128xf32, #tpu.memory_space<vmem>> -> memref<128x128xf32, #tpu.memory_space<vmem>>
    %dma_wait3A_252 = arith.constant 128 : i32
    %dma_wait3A_253 = tpu.memref_slice %arg5[%dma_wait3A_252] : memref<3200xi32, #tpu.memory_space<vmem>> -> memref<128xi32, #tpu.memory_space<vmem>>
    %dma_wait3A_254 = arith.constant 0 : i32
    %dma_wait3A_255 = arith.constant 0 : i32
    %dma_wait3A_256 = tpu.memref_slice %arg8[%dma_wait3A_254, %dma_wait3A_255] : memref<128x128xf32, #tpu.memory_space<vmem_shared>> -> memref<128x128xf32, #tpu.memory_space<vmem_shared>>
    %dma_wait3A_257 = tpu.memref_slice %arg9[%dma_wait3A_247] : memref<4x!tpu.dma_semaphore, #tpu.memory_space<semaphore_mem>> -> memref<1x!tpu.dma_semaphore, #tpu.memory_space<semaphore_mem>>
    %dma_wait3A_258 = tpu.memref_squeeze %dma_wait3A_257 : memref<1x!tpu.dma_semaphore, #tpu.memory_space<semaphore_mem>> -> memref<!tpu.dma_semaphore, #tpu.memory_space<semaphore_mem>>
    tpu.wait_indirect_dma semaphore(%dma_wait3A_258 : memref<!tpu.dma_semaphore, #tpu.memory_space<semaphore_mem>>) src(%dma_wait3A_256 : memref<128x128xf32, #tpu.memory_space<vmem_shared>>) dst(%dma_wait3A_251 : memref<128x128xf32, #tpu.memory_space<vmem>>)
    %add3A_259 = arith.constant 128 : i32
    %add3A_260 = arith.addi %min3A_3, %add3A_259 : i32
    %dma_start3A_261 = arith.constant 1 : i32
    %dma_start3A_262 = arith.constant 1 : i32
    %dma_start3A_263 = arith.constant 0 : i32
    %dma_start3A_264 = arith.constant 0 : i32
    %dma_start3A_265 = tpu.memref_slice %arg6[%dma_start3A_261, %dma_start3A_263, %dma_start3A_264] : memref<4x128x128xf32, #tpu.memory_space<vmem>> -> memref<1x128x128xf32, #tpu.memory_space<vmem>>
    %dma_start3A_266 = tpu.memref_squeeze %dma_start3A_265 : memref<1x128x128xf32, #tpu.memory_space<vmem>> -> memref<128x128xf32, #tpu.memory_space<vmem>>
    %dma_start3A_267 = arith.constant 0 : i32
    %dma_start3A_268 = tpu.memref_slice %arg4[%add3A_260, %dma_start3A_267] : memref<100000x480xf32, #tpu.memory_space<hbm>> -> memref<128x128xf32, #tpu.memory_space<hbm>>
    %dma_start3A_269 = tpu.memref_slice %arg10[%dma_start3A_262] : memref<4x!tpu.dma_semaphore, #tpu.memory_space<semaphore_mem>> -> memref<1x!tpu.dma_semaphore, #tpu.memory_space<semaphore_mem>>
    %dma_start3A_270 = tpu.memref_squeeze %dma_start3A_269 : memref<1x!tpu.dma_semaphore, #tpu.memory_space<semaphore_mem>> -> memref<!tpu.dma_semaphore, #tpu.memory_space<semaphore_mem>>
    %dma_start3A_271 = arith.constant 0 : i32
    %dma_start3A_272 = tpu.memref_slice %arg4[%add3A_260, %dma_start3A_271] : memref<100000x480xf32, #tpu.memory_space<hbm>> -> memref<128x128xf32, #tpu.memory_space<hbm>>
    %dma_start3A_273 = arith.constant 0 : i32
    %dma_start3A_274 = arith.constant 0 : i32
    %dma_start3A_275 = tpu.memref_slice %arg6[%dma_start3A_261, %dma_start3A_273, %dma_start3A_274] : memref<4x128x128xf32, #tpu.memory_space<vmem>> -> memref<1x128x128xf32, #tpu.memory_space<vmem>>
    %dma_start3A_276 = tpu.memref_squeeze %dma_start3A_275 : memref<1x128x128xf32, #tpu.memory_space<vmem>> -> memref<128x128xf32, #tpu.memory_space<vmem>>
    tpu.enqueue_dma source(%dma_start3A_276 : memref<128x128xf32, #tpu.memory_space<vmem>>) target(%dma_start3A_272 : memref<128x128xf32, #tpu.memory_space<hbm>>) target_semaphore(%dma_start3A_270 : memref<!tpu.dma_semaphore, #tpu.memory_space<semaphore_mem>>)
    %dma_wait3A_277 = arith.constant 2 : i32
    %dma_wait3A_278 = arith.constant 2 : i32
    %dma_wait3A_279 = arith.constant 0 : i32
    %dma_wait3A_280 = arith.constant 0 : i32
    %dma_wait3A_281 = tpu.memref_slice %arg6[%dma_wait3A_277, %dma_wait3A_279, %dma_wait3A_280] : memref<4x128x128xf32, #tpu.memory_space<vmem>> -> memref<1x128x128xf32, #tpu.memory_space<vmem>>
    %dma_wait3A_282 = tpu.memref_squeeze %dma_wait3A_281 : memref<1x128x128xf32, #tpu.memory_space<vmem>> -> memref<128x128xf32, #tpu.memory_space<vmem>>
    %dma_wait3A_283 = arith.constant 256 : i32
    %dma_wait3A_284 = tpu.memref_slice %arg5[%dma_wait3A_283] : memref<3200xi32, #tpu.memory_space<vmem>> -> memref<128xi32, #tpu.memory_space<vmem>>
    %dma_wait3A_285 = arith.constant 0 : i32
    %dma_wait3A_286 = arith.constant 0 : i32
    %dma_wait3A_287 = tpu.memref_slice %arg8[%dma_wait3A_285, %dma_wait3A_286] : memref<128x128xf32, #tpu.memory_space<vmem_shared>> -> memref<128x128xf32, #tpu.memory_space<vmem_shared>>
    %dma_wait3A_288 = tpu.memref_slice %arg9[%dma_wait3A_278] : memref<4x!tpu.dma_semaphore, #tpu.memory_space<semaphore_mem>> -> memref<1x!tpu.dma_semaphore, #tpu.memory_space<semaphore_mem>>
    %dma_wait3A_289 = tpu.memref_squeeze %dma_wait3A_288 : memref<1x!tpu.dma_semaphore, #tpu.memory_space<semaphore_mem>> -> memref<!tpu.dma_semaphore, #tpu.memory_space<semaphore_mem>>
    tpu.wait_indirect_dma semaphore(%dma_wait3A_289 : memref<!tpu.dma_semaphore, #tpu.memory_space<semaphore_mem>>) src(%dma_wait3A_287 : memref<128x128xf32, #tpu.memory_space<vmem_shared>>) dst(%dma_wait3A_282 : memref<128x128xf32, #tpu.memory_space<vmem>>)
    %add3A_290 = arith.constant 256 : i32
    %add3A_291 = arith.addi %min3A_3, %add3A_290 : i32
    %dma_start3A_292 = arith.constant 2 : i32
    %dma_start3A_293 = arith.constant 2 : i32
    %dma_start3A_294 = arith.constant 0 : i32
    %dma_start3A_295 = arith.constant 0 : i32
    %dma_start3A_296 = tpu.memref_slice %arg6[%dma_start3A_292, %dma_start3A_294, %dma_start3A_295] : memref<4x128x128xf32, #tpu.memory_space<vmem>> -> memref<1x128x128xf32, #tpu.memory_space<vmem>>
    %dma_start3A_297 = tpu.memref_squeeze %dma_start3A_296 : memref<1x128x128xf32, #tpu.memory_space<vmem>> -> memref<128x128xf32, #tpu.memory_space<vmem>>
    %dma_start3A_298 = arith.constant 0 : i32
    %dma_start3A_299 = tpu.memref_slice %arg4[%add3A_291, %dma_start3A_298] : memref<100000x480xf32, #tpu.memory_space<hbm>> -> memref<128x128xf32, #tpu.memory_space<hbm>>
    %dma_start3A_300 = tpu.memref_slice %arg10[%dma_start3A_293] : memref<4x!tpu.dma_semaphore, #tpu.memory_space<semaphore_mem>> -> memref<1x!tpu.dma_semaphore, #tpu.memory_space<semaphore_mem>>
    %dma_start3A_301 = tpu.memref_squeeze %dma_start3A_300 : memref<1x!tpu.dma_semaphore, #tpu.memory_space<semaphore_mem>> -> memref<!tpu.dma_semaphore, #tpu.memory_space<semaphore_mem>>
    %dma_start3A_302 = arith.constant 0 : i32
    %dma_start3A_303 = tpu.memref_slice %arg4[%add3A_291, %dma_start3A_302] : memref<100000x480xf32, #tpu.memory_space<hbm>> -> memref<128x128xf32, #tpu.memory_space<hbm>>
    %dma_start3A_304 = arith.constant 0 : i32
    %dma_start3A_305 = arith.constant 0 : i32
    %dma_start3A_306 = tpu.memref_slice %arg6[%dma_start3A_292, %dma_start3A_304, %dma_start3A_305] : memref<4x128x128xf32, #tpu.memory_space<vmem>> -> memref<1x128x128xf32, #tpu.memory_space<vmem>>
    %dma_start3A_307 = tpu.memref_squeeze %dma_start3A_306 : memref<1x128x128xf32, #tpu.memory_space<vmem>> -> memref<128x128xf32, #tpu.memory_space<vmem>>
    tpu.enqueue_dma source(%dma_start3A_307 : memref<128x128xf32, #tpu.memory_space<vmem>>) target(%dma_start3A_303 : memref<128x128xf32, #tpu.memory_space<hbm>>) target_semaphore(%dma_start3A_301 : memref<!tpu.dma_semaphore, #tpu.memory_space<semaphore_mem>>)
    %scan3A_308 = arith.constant 0 : i32
    %scan3A_309 = arith.constant 0 : i32
    %scan3A_310 = arith.constant 5 : i32
    %scan3A_311 = arith.addi %scan3A_309, %scan3A_310 : i32
    %scan3A_312 = arith.constant 1 : i32
    scf.for %scan3A_629 = %scan3A_309 to %scan3A_311 step %scan3A_312  : i32 {
      %mul3A_630 = arith.constant 4 : i32
      %mul3A_631 = arith.muli %mul3A_630, %scan3A_629 : i32
      %add3A_632 = arith.constant 4 : i32
      %add3A_633 = arith.addi %mul3A_631, %add3A_632 : i32
      %add3A_634 = arith.constant 0 : i32
      %add3A_635 = arith.addi %add3A_633, %add3A_634 : i32
      %sub3A = arith.constant 4 : i32
      %sub3A_636 = arith.subi %add3A_635, %sub3A : i32
      %mul3A_637 = arith.constant 128 : i32
      %mul3A_638 = arith.muli %sub3A_636, %mul3A_637 : i32
      %add3A_639 = arith.addi %min3A_3, %mul3A_638 : i32
      %dma_wait3A_640 = arith.constant 0 : i32
      %dma_wait3A_641 = arith.constant 0 : i32
      %dma_wait3A_642 = arith.constant 0 : i32
      %dma_wait3A_643 = arith.constant 0 : i32
      %dma_wait3A_644 = tpu.memref_slice %arg6[%dma_wait3A_640, %dma_wait3A_642, %dma_wait3A_643] : memref<4x128x128xf32, #tpu.memory_space<vmem>> -> memref<1x128x128xf32, #tpu.memory_space<vmem>>
      %dma_wait3A_645 = tpu.memref_squeeze %dma_wait3A_644 : memref<1x128x128xf32, #tpu.memory_space<vmem>> -> memref<128x128xf32, #tpu.memory_space<vmem>>
      %dma_wait3A_646 = arith.constant 0 : i32
      %dma_wait3A_647 = tpu.memref_slice %arg4[%add3A_639, %dma_wait3A_646] : memref<100000x480xf32, #tpu.memory_space<hbm>> -> memref<128x128xf32, #tpu.memory_space<hbm>>
      %dma_wait3A_648 = tpu.memref_slice %arg10[%dma_wait3A_641] : memref<4x!tpu.dma_semaphore, #tpu.memory_space<semaphore_mem>> -> memref<1x!tpu.dma_semaphore, #tpu.memory_space<semaphore_mem>>
      %dma_wait3A_649 = tpu.memref_squeeze %dma_wait3A_648 : memref<1x!tpu.dma_semaphore, #tpu.memory_space<semaphore_mem>> -> memref<!tpu.dma_semaphore, #tpu.memory_space<semaphore_mem>>
      %dma_wait3A_650 = arith.constant 0 : i32
      %dma_wait3A_651 = tpu.memref_slice %arg4[%add3A_639, %dma_wait3A_650] : memref<100000x480xf32, #tpu.memory_space<hbm>> -> memref<128x128xf32, #tpu.memory_space<hbm>>
      %dma_wait3A_652 = arith.constant 0 : i32
      %dma_wait3A_653 = arith.constant 0 : i32
      %dma_wait3A_654 = tpu.memref_slice %arg6[%dma_wait3A_640, %dma_wait3A_652, %dma_wait3A_653] : memref<4x128x128xf32, #tpu.memory_space<vmem>> -> memref<1x128x128xf32, #tpu.memory_space<vmem>>
      %dma_wait3A_655 = tpu.memref_squeeze %dma_wait3A_654 : memref<1x128x128xf32, #tpu.memory_space<vmem>> -> memref<128x128xf32, #tpu.memory_space<vmem>>
      tpu.wait_dma2 semaphore(%dma_wait3A_649 : memref<!tpu.dma_semaphore, #tpu.memory_space<semaphore_mem>>) src(%dma_wait3A_655 : memref<128x128xf32, #tpu.memory_space<vmem>>) dst(%dma_wait3A_651 : memref<128x128xf32, #tpu.memory_space<hbm>>)
      %mul3A_656 = arith.constant 128 : i32
      %mul3A_657 = arith.muli %add3A_635, %mul3A_656 : i32
      %dma_start3A_658 = arith.constant 0 : i32
      %dma_start3A_659 = arith.constant 0 : i32
      %dma_start3A_660 = arith.constant 0 : i32
      %dma_start3A_661 = arith.constant 0 : i32
      %dma_start3A_662 = tpu.memref_slice %arg6[%dma_start3A_658, %dma_start3A_660, %dma_start3A_661] : memref<4x128x128xf32, #tpu.memory_space<vmem>> -> memref<1x128x128xf32, #tpu.memory_space<vmem>>
      %dma_start3A_663 = tpu.memref_squeeze %dma_start3A_662 : memref<1x128x128xf32, #tpu.memory_space<vmem>> -> memref<128x128xf32, #tpu.memory_space<vmem>>
      %dma_start3A_664 = tpu.memref_slice %arg5[%mul3A_657] : memref<3200xi32, #tpu.memory_space<vmem>> -> memref<128xi32, #tpu.memory_space<vmem>>
      %dma_start3A_665 = arith.constant 0 : i32
      %dma_start3A_666 = arith.constant 0 : i32
      %dma_start3A_667 = tpu.memref_slice %arg8[%dma_start3A_665, %dma_start3A_666] : memref<128x128xf32, #tpu.memory_space<vmem_shared>> -> memref<128x128xf32, #tpu.memory_space<vmem_shared>>
      %dma_start3A_668 = tpu.memref_slice %arg9[%dma_start3A_659] : memref<4x!tpu.dma_semaphore, #tpu.memory_space<semaphore_mem>> -> memref<1x!tpu.dma_semaphore, #tpu.memory_space<semaphore_mem>>
      %dma_start3A_669 = tpu.memref_squeeze %dma_start3A_668 : memref<1x!tpu.dma_semaphore, #tpu.memory_space<semaphore_mem>> -> memref<!tpu.dma_semaphore, #tpu.memory_space<semaphore_mem>>
      tpu.enqueue_indirect_dma source(%dma_start3A_667 : memref<128x128xf32, #tpu.memory_space<vmem_shared>>) target(%dma_start3A_663 : memref<128x128xf32, #tpu.memory_space<vmem>>) offsets(%dma_start3A_664 : memref<128xi32, #tpu.memory_space<vmem>>) semaphore(%dma_start3A_669 : memref<!tpu.dma_semaphore, #tpu.memory_space<semaphore_mem>>)
      %sub3A_670 = arith.constant 1 : i32
      %sub3A_671 = arith.subi %add3A_635, %sub3A_670 : i32
      %mul3A_672 = arith.constant 128 : i32
      %mul3A_673 = arith.muli %sub3A_671, %mul3A_672 : i32
      %dma_wait3A_674 = arith.constant 3 : i32
      %dma_wait3A_675 = arith.constant 3 : i32
      %dma_wait3A_676 = arith.constant 0 : i32
      %dma_wait3A_677 = arith.constant 0 : i32
      %dma_wait3A_678 = tpu.memref_slice %arg6[%dma_wait3A_674, %dma_wait3A_676, %dma_wait3A_677] : memref<4x128x128xf32, #tpu.memory_space<vmem>> -> memref<1x128x128xf32, #tpu.memory_space<vmem>>
      %dma_wait3A_679 = tpu.memref_squeeze %dma_wait3A_678 : memref<1x128x128xf32, #tpu.memory_space<vmem>> -> memref<128x128xf32, #tpu.memory_space<vmem>>
      %dma_wait3A_680 = tpu.memref_slice %arg5[%mul3A_673] : memref<3200xi32, #tpu.memory_space<vmem>> -> memref<128xi32, #tpu.memory_space<vmem>>
      %dma_wait3A_681 = arith.constant 0 : i32
      %dma_wait3A_682 = arith.constant 0 : i32
      %dma_wait3A_683 = tpu.memref_slice %arg8[%dma_wait3A_681, %dma_wait3A_682] : memref<128x128xf32, #tpu.memory_space<vmem_shared>> -> memref<128x128xf32, #tpu.memory_space<vmem_shared>>
      %dma_wait3A_684 = tpu.memref_slice %arg9[%dma_wait3A_675] : memref<4x!tpu.dma_semaphore, #tpu.memory_space<semaphore_mem>> -> memref<1x!tpu.dma_semaphore, #tpu.memory_space<semaphore_mem>>
      %dma_wait3A_685 = tpu.memref_squeeze %dma_wait3A_684 : memref<1x!tpu.dma_semaphore, #tpu.memory_space<semaphore_mem>> -> memref<!tpu.dma_semaphore, #tpu.memory_space<semaphore_mem>>
      tpu.wait_indirect_dma semaphore(%dma_wait3A_685 : memref<!tpu.dma_semaphore, #tpu.memory_space<semaphore_mem>>) src(%dma_wait3A_683 : memref<128x128xf32, #tpu.memory_space<vmem_shared>>) dst(%dma_wait3A_679 : memref<128x128xf32, #tpu.memory_space<vmem>>)
      %mul3A_686 = arith.constant 128 : i32
      %mul3A_687 = arith.muli %sub3A_671, %mul3A_686 : i32
      %add3A_688 = arith.addi %min3A_3, %mul3A_687 : i32
      %dma_start3A_689 = arith.constant 3 : i32
      %dma_start3A_690 = arith.constant 3 : i32
      %dma_start3A_691 = arith.constant 0 : i32
      %dma_start3A_692 = arith.constant 0 : i32
      %dma_start3A_693 = tpu.memref_slice %arg6[%dma_start3A_689, %dma_start3A_691, %dma_start3A_692] : memref<4x128x128xf32, #tpu.memory_space<vmem>> -> memref<1x128x128xf32, #tpu.memory_space<vmem>>
      %dma_start3A_694 = tpu.memref_squeeze %dma_start3A_693 : memref<1x128x128xf32, #tpu.memory_space<vmem>> -> memref<128x128xf32, #tpu.memory_space<vmem>>
      %dma_start3A_695 = arith.constant 0 : i32
      %dma_start3A_696 = tpu.memref_slice %arg4[%add3A_688, %dma_start3A_695] : memref<100000x480xf32, #tpu.memory_space<hbm>> -> memref<128x128xf32, #tpu.memory_space<hbm>>
      %dma_start3A_697 = tpu.memref_slice %arg10[%dma_start3A_690] : memref<4x!tpu.dma_semaphore, #tpu.memory_space<semaphore_mem>> -> memref<1x!tpu.dma_semaphore, #tpu.memory_space<semaphore_mem>>
      %dma_start3A_698 = tpu.memref_squeeze %dma_start3A_697 : memref<1x!tpu.dma_semaphore, #tpu.memory_space<semaphore_mem>> -> memref<!tpu.dma_semaphore, #tpu.memory_space<semaphore_mem>>
      %dma_start3A_699 = arith.constant 0 : i32
      %dma_start3A_700 = tpu.memref_slice %arg4[%add3A_688, %dma_start3A_699] : memref<100000x480xf32, #tpu.memory_space<hbm>> -> memref<128x128xf32, #tpu.memory_space<hbm>>
      %dma_start3A_701 = arith.constant 0 : i32
      %dma_start3A_702 = arith.constant 0 : i32
      %dma_start3A_703 = tpu.memref_slice %arg6[%dma_start3A_689, %dma_start3A_701, %dma_start3A_702] : memref<4x128x128xf32, #tpu.memory_space<vmem>> -> memref<1x128x128xf32, #tpu.memory_space<vmem>>
      %dma_start3A_704 = tpu.memref_squeeze %dma_start3A_703 : memref<1x128x128xf32, #tpu.memory_space<vmem>> -> memref<128x128xf32, #tpu.memory_space<vmem>>
      tpu.enqueue_dma source(%dma_start3A_704 : memref<128x128xf32, #tpu.memory_space<vmem>>) target(%dma_start3A_700 : memref<128x128xf32, #tpu.memory_space<hbm>>) target_semaphore(%dma_start3A_698 : memref<!tpu.dma_semaphore, #tpu.memory_space<semaphore_mem>>)
      %mul3A_705 = arith.constant 4 : i32
      %mul3A_706 = arith.muli %mul3A_705, %scan3A_629 : i32
      %add3A_707 = arith.constant 4 : i32
      %add3A_708 = arith.addi %mul3A_706, %add3A_707 : i32
      %add3A_709 = arith.constant 1 : i32
      %add3A_710 = arith.addi %add3A_708, %add3A_709 : i32
      %sub3A_711 = arith.constant 4 : i32
      %sub3A_712 = arith.subi %add3A_710, %sub3A_711 : i32
      %mul3A_713 = arith.constant 128 : i32
      %mul3A_714 = arith.muli %sub3A_712, %mul3A_713 : i32
      %add3A_715 = arith.addi %min3A_3, %mul3A_714 : i32
      %dma_wait3A_716 = arith.constant 1 : i32
      %dma_wait3A_717 = arith.constant 1 : i32
      %dma_wait3A_718 = arith.constant 0 : i32
      %dma_wait3A_719 = arith.constant 0 : i32
      %dma_wait3A_720 = tpu.memref_slice %arg6[%dma_wait3A_716, %dma_wait3A_718, %dma_wait3A_719] : memref<4x128x128xf32, #tpu.memory_space<vmem>> -> memref<1x128x128xf32, #tpu.memory_space<vmem>>
      %dma_wait3A_721 = tpu.memref_squeeze %dma_wait3A_720 : memref<1x128x128xf32, #tpu.memory_space<vmem>> -> memref<128x128xf32, #tpu.memory_space<vmem>>
      %dma_wait3A_722 = arith.constant 0 : i32
      %dma_wait3A_723 = tpu.memref_slice %arg4[%add3A_715, %dma_wait3A_722] : memref<100000x480xf32, #tpu.memory_space<hbm>> -> memref<128x128xf32, #tpu.memory_space<hbm>>
      %dma_wait3A_724 = tpu.memref_slice %arg10[%dma_wait3A_717] : memref<4x!tpu.dma_semaphore, #tpu.memory_space<semaphore_mem>> -> memref<1x!tpu.dma_semaphore, #tpu.memory_space<semaphore_mem>>
      %dma_wait3A_725 = tpu.memref_squeeze %dma_wait3A_724 : memref<1x!tpu.dma_semaphore, #tpu.memory_space<semaphore_mem>> -> memref<!tpu.dma_semaphore, #tpu.memory_space<semaphore_mem>>
      %dma_wait3A_726 = arith.constant 0 : i32
      %dma_wait3A_727 = tpu.memref_slice %arg4[%add3A_715, %dma_wait3A_726] : memref<100000x480xf32, #tpu.memory_space<hbm>> -> memref<128x128xf32, #tpu.memory_space<hbm>>
      %dma_wait3A_728 = arith.constant 0 : i32
      %dma_wait3A_729 = arith.constant 0 : i32
      %dma_wait3A_730 = tpu.memref_slice %arg6[%dma_wait3A_716, %dma_wait3A_728, %dma_wait3A_729] : memref<4x128x128xf32, #tpu.memory_space<vmem>> -> memref<1x128x128xf32, #tpu.memory_space<vmem>>
      %dma_wait3A_731 = tpu.memref_squeeze %dma_wait3A_730 : memref<1x128x128xf32, #tpu.memory_space<vmem>> -> memref<128x128xf32, #tpu.memory_space<vmem>>
      tpu.wait_dma2 semaphore(%dma_wait3A_725 : memref<!tpu.dma_semaphore, #tpu.memory_space<semaphore_mem>>) src(%dma_wait3A_731 : memref<128x128xf32, #tpu.memory_space<vmem>>) dst(%dma_wait3A_727 : memref<128x128xf32, #tpu.memory_space<hbm>>)
      %mul3A_732 = arith.constant 128 : i32
      %mul3A_733 = arith.muli %add3A_710, %mul3A_732 : i32
      %dma_start3A_734 = arith.constant 1 : i32
      %dma_start3A_735 = arith.constant 1 : i32
      %dma_start3A_736 = arith.constant 0 : i32
      %dma_start3A_737 = arith.constant 0 : i32
      %dma_start3A_738 = tpu.memref_slice %arg6[%dma_start3A_734, %dma_start3A_736, %dma_start3A_737] : memref<4x128x128xf32, #tpu.memory_space<vmem>> -> memref<1x128x128xf32, #tpu.memory_space<vmem>>
      %dma_start3A_739 = tpu.memref_squeeze %dma_start3A_738 : memref<1x128x128xf32, #tpu.memory_space<vmem>> -> memref<128x128xf32, #tpu.memory_space<vmem>>
      %dma_start3A_740 = tpu.memref_slice %arg5[%mul3A_733] : memref<3200xi32, #tpu.memory_space<vmem>> -> memref<128xi32, #tpu.memory_space<vmem>>
      %dma_start3A_741 = arith.constant 0 : i32
      %dma_start3A_742 = arith.constant 0 : i32
      %dma_start3A_743 = tpu.memref_slice %arg8[%dma_start3A_741, %dma_start3A_742] : memref<128x128xf32, #tpu.memory_space<vmem_shared>> -> memref<128x128xf32, #tpu.memory_space<vmem_shared>>
      %dma_start3A_744 = tpu.memref_slice %arg9[%dma_start3A_735] : memref<4x!tpu.dma_semaphore, #tpu.memory_space<semaphore_mem>> -> memref<1x!tpu.dma_semaphore, #tpu.memory_space<semaphore_mem>>
      %dma_start3A_745 = tpu.memref_squeeze %dma_start3A_744 : memref<1x!tpu.dma_semaphore, #tpu.memory_space<semaphore_mem>> -> memref<!tpu.dma_semaphore, #tpu.memory_space<semaphore_mem>>
      tpu.enqueue_indirect_dma source(%dma_start3A_743 : memref<128x128xf32, #tpu.memory_space<vmem_shared>>) target(%dma_start3A_739 : memref<128x128xf32, #tpu.memory_space<vmem>>) offsets(%dma_start3A_740 : memref<128xi32, #tpu.memory_space<vmem>>) semaphore(%dma_start3A_745 : memref<!tpu.dma_semaphore, #tpu.memory_space<semaphore_mem>>)
      %sub3A_746 = arith.constant 1 : i32
      %sub3A_747 = arith.subi %add3A_710, %sub3A_746 : i32
      %mul3A_748 = arith.constant 128 : i32
      %mul3A_749 = arith.muli %sub3A_747, %mul3A_748 : i32
      %dma_wait3A_750 = arith.constant 0 : i32
      %dma_wait3A_751 = arith.constant 0 : i32
      %dma_wait3A_752 = arith.constant 0 : i32
      %dma_wait3A_753 = arith.constant 0 : i32
      %dma_wait3A_754 = tpu.memref_slice %arg6[%dma_wait3A_750, %dma_wait3A_752, %dma_wait3A_753] : memref<4x128x128xf32, #tpu.memory_space<vmem>> -> memref<1x128x128xf32, #tpu.memory_space<vmem>>
      %dma_wait3A_755 = tpu.memref_squeeze %dma_wait3A_754 : memref<1x128x128xf32, #tpu.memory_space<vmem>> -> memref<128x128xf32, #tpu.memory_space<vmem>>
      %dma_wait3A_756 = tpu.memref_slice %arg5[%mul3A_749] : memref<3200xi32, #tpu.memory_space<vmem>> -> memref<128xi32, #tpu.memory_space<vmem>>
      %dma_wait3A_757 = arith.constant 0 : i32
      %dma_wait3A_758 = arith.constant 0 : i32
      %dma_wait3A_759 = tpu.memref_slice %arg8[%dma_wait3A_757, %dma_wait3A_758] : memref<128x128xf32, #tpu.memory_space<vmem_shared>> -> memref<128x128xf32, #tpu.memory_space<vmem_shared>>
      %dma_wait3A_760 = tpu.memref_slice %arg9[%dma_wait3A_751] : memref<4x!tpu.dma_semaphore, #tpu.memory_space<semaphore_mem>> -> memref<1x!tpu.dma_semaphore, #tpu.memory_space<semaphore_mem>>
      %dma_wait3A_761 = tpu.memref_squeeze %dma_wait3A_760 : memref<1x!tpu.dma_semaphore, #tpu.memory_space<semaphore_mem>> -> memref<!tpu.dma_semaphore, #tpu.memory_space<semaphore_mem>>
      tpu.wait_indirect_dma semaphore(%dma_wait3A_761 : memref<!tpu.dma_semaphore, #tpu.memory_space<semaphore_mem>>) src(%dma_wait3A_759 : memref<128x128xf32, #tpu.memory_space<vmem_shared>>) dst(%dma_wait3A_755 : memref<128x128xf32, #tpu.memory_space<vmem>>)
      %mul3A_762 = arith.constant 128 : i32
      %mul3A_763 = arith.muli %sub3A_747, %mul3A_762 : i32
      %add3A_764 = arith.addi %min3A_3, %mul3A_763 : i32
      %dma_start3A_765 = arith.constant 0 : i32
      %dma_start3A_766 = arith.constant 0 : i32
      %dma_start3A_767 = arith.constant 0 : i32
      %dma_start3A_768 = arith.constant 0 : i32
      %dma_start3A_769 = tpu.memref_slice %arg6[%dma_start3A_765, %dma_start3A_767, %dma_start3A_768] : memref<4x128x128xf32, #tpu.memory_space<vmem>> -> memref<1x128x128xf32, #tpu.memory_space<vmem>>
      %dma_start3A_770 = tpu.memref_squeeze %dma_start3A_769 : memref<1x128x128xf32, #tpu.memory_space<vmem>> -> memref<128x128xf32, #tpu.memory_space<vmem>>
      %dma_start3A_771 = arith.constant 0 : i32
      %dma_start3A_772 = tpu.memref_slice %arg4[%add3A_764, %dma_start3A_771] : memref<100000x480xf32, #tpu.memory_space<hbm>> -> memref<128x128xf32, #tpu.memory_space<hbm>>
      %dma_start3A_773 = tpu.memref_slice %arg10[%dma_start3A_766] : memref<4x!tpu.dma_semaphore, #tpu.memory_space<semaphore_mem>> -> memref<1x!tpu.dma_semaphore, #tpu.memory_space<semaphore_mem>>
      %dma_start3A_774 = tpu.memref_squeeze %dma_start3A_773 : memref<1x!tpu.dma_semaphore, #tpu.memory_space<semaphore_mem>> -> memref<!tpu.dma_semaphore, #tpu.memory_space<semaphore_mem>>
      %dma_start3A_775 = arith.constant 0 : i32
      %dma_start3A_776 = tpu.memref_slice %arg4[%add3A_764, %dma_start3A_775] : memref<100000x480xf32, #tpu.memory_space<hbm>> -> memref<128x128xf32, #tpu.memory_space<hbm>>
      %dma_start3A_777 = arith.constant 0 : i32
      %dma_start3A_778 = arith.constant 0 : i32
      %dma_start3A_779 = tpu.memref_slice %arg6[%dma_start3A_765, %dma_start3A_777, %dma_start3A_778] : memref<4x128x128xf32, #tpu.memory_space<vmem>> -> memref<1x128x128xf32, #tpu.memory_space<vmem>>
      %dma_start3A_780 = tpu.memref_squeeze %dma_start3A_779 : memref<1x128x128xf32, #tpu.memory_space<vmem>> -> memref<128x128xf32, #tpu.memory_space<vmem>>
      tpu.enqueue_dma source(%dma_start3A_780 : memref<128x128xf32, #tpu.memory_space<vmem>>) target(%dma_start3A_776 : memref<128x128xf32, #tpu.memory_space<hbm>>) target_semaphore(%dma_start3A_774 : memref<!tpu.dma_semaphore, #tpu.memory_space<semaphore_mem>>)
      %mul3A_781 = arith.constant 4 : i32
      %mul3A_782 = arith.muli %mul3A_781, %scan3A_629 : i32
      %add3A_783 = arith.constant 4 : i32
      %add3A_784 = arith.addi %mul3A_782, %add3A_783 : i32
      %add3A_785 = arith.constant 2 : i32
      %add3A_786 = arith.addi %add3A_784, %add3A_785 : i32
      %sub3A_787 = arith.constant 4 : i32
      %sub3A_788 = arith.subi %add3A_786, %sub3A_787 : i32
      %mul3A_789 = arith.constant 128 : i32
      %mul3A_790 = arith.muli %sub3A_788, %mul3A_789 : i32
      %add3A_791 = arith.addi %min3A_3, %mul3A_790 : i32
      %dma_wait3A_792 = arith.constant 2 : i32
      %dma_wait3A_793 = arith.constant 2 : i32
      %dma_wait3A_794 = arith.constant 0 : i32
      %dma_wait3A_795 = arith.constant 0 : i32
      %dma_wait3A_796 = tpu.memref_slice %arg6[%dma_wait3A_792, %dma_wait3A_794, %dma_wait3A_795] : memref<4x128x128xf32, #tpu.memory_space<vmem>> -> memref<1x128x128xf32, #tpu.memory_space<vmem>>
      %dma_wait3A_797 = tpu.memref_squeeze %dma_wait3A_796 : memref<1x128x128xf32, #tpu.memory_space<vmem>> -> memref<128x128xf32, #tpu.memory_space<vmem>>
      %dma_wait3A_798 = arith.constant 0 : i32
      %dma_wait3A_799 = tpu.memref_slice %arg4[%add3A_791, %dma_wait3A_798] : memref<100000x480xf32, #tpu.memory_space<hbm>> -> memref<128x128xf32, #tpu.memory_space<hbm>>
      %dma_wait3A_800 = tpu.memref_slice %arg10[%dma_wait3A_793] : memref<4x!tpu.dma_semaphore, #tpu.memory_space<semaphore_mem>> -> memref<1x!tpu.dma_semaphore, #tpu.memory_space<semaphore_mem>>
      %dma_wait3A_801 = tpu.memref_squeeze %dma_wait3A_800 : memref<1x!tpu.dma_semaphore, #tpu.memory_space<semaphore_mem>> -> memref<!tpu.dma_semaphore, #tpu.memory_space<semaphore_mem>>
      %dma_wait3A_802 = arith.constant 0 : i32
      %dma_wait3A_803 = tpu.memref_slice %arg4[%add3A_791, %dma_wait3A_802] : memref<100000x480xf32, #tpu.memory_space<hbm>> -> memref<128x128xf32, #tpu.memory_space<hbm>>
      %dma_wait3A_804 = arith.constant 0 : i32
      %dma_wait3A_805 = arith.constant 0 : i32
      %dma_wait3A_806 = tpu.memref_slice %arg6[%dma_wait3A_792, %dma_wait3A_804, %dma_wait3A_805] : memref<4x128x128xf32, #tpu.memory_space<vmem>> -> memref<1x128x128xf32, #tpu.memory_space<vmem>>
      %dma_wait3A_807 = tpu.memref_squeeze %dma_wait3A_806 : memref<1x128x128xf32, #tpu.memory_space<vmem>> -> memref<128x128xf32, #tpu.memory_space<vmem>>
      tpu.wait_dma2 semaphore(%dma_wait3A_801 : memref<!tpu.dma_semaphore, #tpu.memory_space<semaphore_mem>>) src(%dma_wait3A_807 : memref<128x128xf32, #tpu.memory_space<vmem>>) dst(%dma_wait3A_803 : memref<128x128xf32, #tpu.memory_space<hbm>>)
      %mul3A_808 = arith.constant 128 : i32
      %mul3A_809 = arith.muli %add3A_786, %mul3A_808 : i32
      %dma_start3A_810 = arith.constant 2 : i32
      %dma_start3A_811 = arith.constant 2 : i32
      %dma_start3A_812 = arith.constant 0 : i32
      %dma_start3A_813 = arith.constant 0 : i32
      %dma_start3A_814 = tpu.memref_slice %arg6[%dma_start3A_810, %dma_start3A_812, %dma_start3A_813] : memref<4x128x128xf32, #tpu.memory_space<vmem>> -> memref<1x128x128xf32, #tpu.memory_space<vmem>>
      %dma_start3A_815 = tpu.memref_squeeze %dma_start3A_814 : memref<1x128x128xf32, #tpu.memory_space<vmem>> -> memref<128x128xf32, #tpu.memory_space<vmem>>
      %dma_start3A_816 = tpu.memref_slice %arg5[%mul3A_809] : memref<3200xi32, #tpu.memory_space<vmem>> -> memref<128xi32, #tpu.memory_space<vmem>>
      %dma_start3A_817 = arith.constant 0 : i32
      %dma_start3A_818 = arith.constant 0 : i32
      %dma_start3A_819 = tpu.memref_slice %arg8[%dma_start3A_817, %dma_start3A_818] : memref<128x128xf32, #tpu.memory_space<vmem_shared>> -> memref<128x128xf32, #tpu.memory_space<vmem_shared>>
      %dma_start3A_820 = tpu.memref_slice %arg9[%dma_start3A_811] : memref<4x!tpu.dma_semaphore, #tpu.memory_space<semaphore_mem>> -> memref<1x!tpu.dma_semaphore, #tpu.memory_space<semaphore_mem>>
      %dma_start3A_821 = tpu.memref_squeeze %dma_start3A_820 : memref<1x!tpu.dma_semaphore, #tpu.memory_space<semaphore_mem>> -> memref<!tpu.dma_semaphore, #tpu.memory_space<semaphore_mem>>
      tpu.enqueue_indirect_dma source(%dma_start3A_819 : memref<128x128xf32, #tpu.memory_space<vmem_shared>>) target(%dma_start3A_815 : memref<128x128xf32, #tpu.memory_space<vmem>>) offsets(%dma_start3A_816 : memref<128xi32, #tpu.memory_space<vmem>>) semaphore(%dma_start3A_821 : memref<!tpu.dma_semaphore, #tpu.memory_space<semaphore_mem>>)
      %sub3A_822 = arith.constant 1 : i32
      %sub3A_823 = arith.subi %add3A_786, %sub3A_822 : i32
      %mul3A_824 = arith.constant 128 : i32
      %mul3A_825 = arith.muli %sub3A_823, %mul3A_824 : i32
      %dma_wait3A_826 = arith.constant 1 : i32
      %dma_wait3A_827 = arith.constant 1 : i32
      %dma_wait3A_828 = arith.constant 0 : i32
      %dma_wait3A_829 = arith.constant 0 : i32
      %dma_wait3A_830 = tpu.memref_slice %arg6[%dma_wait3A_826, %dma_wait3A_828, %dma_wait3A_829] : memref<4x128x128xf32, #tpu.memory_space<vmem>> -> memref<1x128x128xf32, #tpu.memory_space<vmem>>
      %dma_wait3A_831 = tpu.memref_squeeze %dma_wait3A_830 : memref<1x128x128xf32, #tpu.memory_space<vmem>> -> memref<128x128xf32, #tpu.memory_space<vmem>>
      %dma_wait3A_832 = tpu.memref_slice %arg5[%mul3A_825] : memref<3200xi32, #tpu.memory_space<vmem>> -> memref<128xi32, #tpu.memory_space<vmem>>
      %dma_wait3A_833 = arith.constant 0 : i32
      %dma_wait3A_834 = arith.constant 0 : i32
      %dma_wait3A_835 = tpu.memref_slice %arg8[%dma_wait3A_833, %dma_wait3A_834] : memref<128x128xf32, #tpu.memory_space<vmem_shared>> -> memref<128x128xf32, #tpu.memory_space<vmem_shared>>
      %dma_wait3A_836 = tpu.memref_slice %arg9[%dma_wait3A_827] : memref<4x!tpu.dma_semaphore, #tpu.memory_space<semaphore_mem>> -> memref<1x!tpu.dma_semaphore, #tpu.memory_space<semaphore_mem>>
      %dma_wait3A_837 = tpu.memref_squeeze %dma_wait3A_836 : memref<1x!tpu.dma_semaphore, #tpu.memory_space<semaphore_mem>> -> memref<!tpu.dma_semaphore, #tpu.memory_space<semaphore_mem>>
      tpu.wait_indirect_dma semaphore(%dma_wait3A_837 : memref<!tpu.dma_semaphore, #tpu.memory_space<semaphore_mem>>) src(%dma_wait3A_835 : memref<128x128xf32, #tpu.memory_space<vmem_shared>>) dst(%dma_wait3A_831 : memref<128x128xf32, #tpu.memory_space<vmem>>)
      %mul3A_838 = arith.constant 128 : i32
      %mul3A_839 = arith.muli %sub3A_823, %mul3A_838 : i32
      %add3A_840 = arith.addi %min3A_3, %mul3A_839 : i32
      %dma_start3A_841 = arith.constant 1 : i32
      %dma_start3A_842 = arith.constant 1 : i32
      %dma_start3A_843 = arith.constant 0 : i32
      %dma_start3A_844 = arith.constant 0 : i32
      %dma_start3A_845 = tpu.memref_slice %arg6[%dma_start3A_841, %dma_start3A_843, %dma_start3A_844] : memref<4x128x128xf32, #tpu.memory_space<vmem>> -> memref<1x128x128xf32, #tpu.memory_space<vmem>>
      %dma_start3A_846 = tpu.memref_squeeze %dma_start3A_845 : memref<1x128x128xf32, #tpu.memory_space<vmem>> -> memref<128x128xf32, #tpu.memory_space<vmem>>
      %dma_start3A_847 = arith.constant 0 : i32
      %dma_start3A_848 = tpu.memref_slice %arg4[%add3A_840, %dma_start3A_847] : memref<100000x480xf32, #tpu.memory_space<hbm>> -> memref<128x128xf32, #tpu.memory_space<hbm>>
      %dma_start3A_849 = tpu.memref_slice %arg10[%dma_start3A_842] : memref<4x!tpu.dma_semaphore, #tpu.memory_space<semaphore_mem>> -> memref<1x!tpu.dma_semaphore, #tpu.memory_space<semaphore_mem>>
      %dma_start3A_850 = tpu.memref_squeeze %dma_start3A_849 : memref<1x!tpu.dma_semaphore, #tpu.memory_space<semaphore_mem>> -> memref<!tpu.dma_semaphore, #tpu.memory_space<semaphore_mem>>
      %dma_start3A_851 = arith.constant 0 : i32
      %dma_start3A_852 = tpu.memref_slice %arg4[%add3A_840, %dma_start3A_851] : memref<100000x480xf32, #tpu.memory_space<hbm>> -> memref<128x128xf32, #tpu.memory_space<hbm>>
      %dma_start3A_853 = arith.constant 0 : i32
      %dma_start3A_854 = arith.constant 0 : i32
      %dma_start3A_855 = tpu.memref_slice %arg6[%dma_start3A_841, %dma_start3A_853, %dma_start3A_854] : memref<4x128x128xf32, #tpu.memory_space<vmem>> -> memref<1x128x128xf32, #tpu.memory_space<vmem>>
      %dma_start3A_856 = tpu.memref_squeeze %dma_start3A_855 : memref<1x128x128xf32, #tpu.memory_space<vmem>> -> memref<128x128xf32, #tpu.memory_space<vmem>>
      tpu.enqueue_dma source(%dma_start3A_856 : memref<128x128xf32, #tpu.memory_space<vmem>>) target(%dma_start3A_852 : memref<128x128xf32, #tpu.memory_space<hbm>>) target_semaphore(%dma_start3A_850 : memref<!tpu.dma_semaphore, #tpu.memory_space<semaphore_mem>>)
      %mul3A_857 = arith.constant 4 : i32
      %mul3A_858 = arith.muli %mul3A_857, %scan3A_629 : i32
      %add3A_859 = arith.constant 4 : i32
      %add3A_860 = arith.addi %mul3A_858, %add3A_859 : i32
      %add3A_861 = arith.constant 3 : i32
      %add3A_862 = arith.addi %add3A_860, %add3A_861 : i32
      %sub3A_863 = arith.constant 4 : i32
      %sub3A_864 = arith.subi %add3A_862, %sub3A_863 : i32
      %mul3A_865 = arith.constant 128 : i32
      %mul3A_866 = arith.muli %sub3A_864, %mul3A_865 : i32
      %add3A_867 = arith.addi %min3A_3, %mul3A_866 : i32
      %dma_wait3A_868 = arith.constant 3 : i32
      %dma_wait3A_869 = arith.constant 3 : i32
      %dma_wait3A_870 = arith.constant 0 : i32
      %dma_wait3A_871 = arith.constant 0 : i32
      %dma_wait3A_872 = tpu.memref_slice %arg6[%dma_wait3A_868, %dma_wait3A_870, %dma_wait3A_871] : memref<4x128x128xf32, #tpu.memory_space<vmem>> -> memref<1x128x128xf32, #tpu.memory_space<vmem>>
      %dma_wait3A_873 = tpu.memref_squeeze %dma_wait3A_872 : memref<1x128x128xf32, #tpu.memory_space<vmem>> -> memref<128x128xf32, #tpu.memory_space<vmem>>
      %dma_wait3A_874 = arith.constant 0 : i32
      %dma_wait3A_875 = tpu.memref_slice %arg4[%add3A_867, %dma_wait3A_874] : memref<100000x480xf32, #tpu.memory_space<hbm>> -> memref<128x128xf32, #tpu.memory_space<hbm>>
      %dma_wait3A_876 = tpu.memref_slice %arg10[%dma_wait3A_869] : memref<4x!tpu.dma_semaphore, #tpu.memory_space<semaphore_mem>> -> memref<1x!tpu.dma_semaphore, #tpu.memory_space<semaphore_mem>>
      %dma_wait3A_877 = tpu.memref_squeeze %dma_wait3A_876 : memref<1x!tpu.dma_semaphore, #tpu.memory_space<semaphore_mem>> -> memref<!tpu.dma_semaphore, #tpu.memory_space<semaphore_mem>>
      %dma_wait3A_878 = arith.constant 0 : i32
      %dma_wait3A_879 = tpu.memref_slice %arg4[%add3A_867, %dma_wait3A_878] : memref<100000x480xf32, #tpu.memory_space<hbm>> -> memref<128x128xf32, #tpu.memory_space<hbm>>
      %dma_wait3A_880 = arith.constant 0 : i32
      %dma_wait3A_881 = arith.constant 0 : i32
      %dma_wait3A_882 = tpu.memref_slice %arg6[%dma_wait3A_868, %dma_wait3A_880, %dma_wait3A_881] : memref<4x128x128xf32, #tpu.memory_space<vmem>> -> memref<1x128x128xf32, #tpu.memory_space<vmem>>
      %dma_wait3A_883 = tpu.memref_squeeze %dma_wait3A_882 : memref<1x128x128xf32, #tpu.memory_space<vmem>> -> memref<128x128xf32, #tpu.memory_space<vmem>>
      tpu.wait_dma2 semaphore(%dma_wait3A_877 : memref<!tpu.dma_semaphore, #tpu.memory_space<semaphore_mem>>) src(%dma_wait3A_883 : memref<128x128xf32, #tpu.memory_space<vmem>>) dst(%dma_wait3A_879 : memref<128x128xf32, #tpu.memory_space<hbm>>)
      %mul3A_884 = arith.constant 128 : i32
      %mul3A_885 = arith.muli %add3A_862, %mul3A_884 : i32
      %dma_start3A_886 = arith.constant 3 : i32
      %dma_start3A_887 = arith.constant 3 : i32
      %dma_start3A_888 = arith.constant 0 : i32
      %dma_start3A_889 = arith.constant 0 : i32
      %dma_start3A_890 = tpu.memref_slice %arg6[%dma_start3A_886, %dma_start3A_888, %dma_start3A_889] : memref<4x128x128xf32, #tpu.memory_space<vmem>> -> memref<1x128x128xf32, #tpu.memory_space<vmem>>
      %dma_start3A_891 = tpu.memref_squeeze %dma_start3A_890 : memref<1x128x128xf32, #tpu.memory_space<vmem>> -> memref<128x128xf32, #tpu.memory_space<vmem>>
      %dma_start3A_892 = tpu.memref_slice %arg5[%mul3A_885] : memref<3200xi32, #tpu.memory_space<vmem>> -> memref<128xi32, #tpu.memory_space<vmem>>
      %dma_start3A_893 = arith.constant 0 : i32
      %dma_start3A_894 = arith.constant 0 : i32
      %dma_start3A_895 = tpu.memref_slice %arg8[%dma_start3A_893, %dma_start3A_894] : memref<128x128xf32, #tpu.memory_space<vmem_shared>> -> memref<128x128xf32, #tpu.memory_space<vmem_shared>>
      %dma_start3A_896 = tpu.memref_slice %arg9[%dma_start3A_887] : memref<4x!tpu.dma_semaphore, #tpu.memory_space<semaphore_mem>> -> memref<1x!tpu.dma_semaphore, #tpu.memory_space<semaphore_mem>>
      %dma_start3A_897 = tpu.memref_squeeze %dma_start3A_896 : memref<1x!tpu.dma_semaphore, #tpu.memory_space<semaphore_mem>> -> memref<!tpu.dma_semaphore, #tpu.memory_space<semaphore_mem>>
      tpu.enqueue_indirect_dma source(%dma_start3A_895 : memref<128x128xf32, #tpu.memory_space<vmem_shared>>) target(%dma_start3A_891 : memref<128x128xf32, #tpu.memory_space<vmem>>) offsets(%dma_start3A_892 : memref<128xi32, #tpu.memory_space<vmem>>) semaphore(%dma_start3A_897 : memref<!tpu.dma_semaphore, #tpu.memory_space<semaphore_mem>>)
      %sub3A_898 = arith.constant 1 : i32
      %sub3A_899 = arith.subi %add3A_862, %sub3A_898 : i32
      %mul3A_900 = arith.constant 128 : i32
      %mul3A_901 = arith.muli %sub3A_899, %mul3A_900 : i32
      %dma_wait3A_902 = arith.constant 2 : i32
      %dma_wait3A_903 = arith.constant 2 : i32
      %dma_wait3A_904 = arith.constant 0 : i32
      %dma_wait3A_905 = arith.constant 0 : i32
      %dma_wait3A_906 = tpu.memref_slice %arg6[%dma_wait3A_902, %dma_wait3A_904, %dma_wait3A_905] : memref<4x128x128xf32, #tpu.memory_space<vmem>> -> memref<1x128x128xf32, #tpu.memory_space<vmem>>
      %dma_wait3A_907 = tpu.memref_squeeze %dma_wait3A_906 : memref<1x128x128xf32, #tpu.memory_space<vmem>> -> memref<128x128xf32, #tpu.memory_space<vmem>>
      %dma_wait3A_908 = tpu.memref_slice %arg5[%mul3A_901] : memref<3200xi32, #tpu.memory_space<vmem>> -> memref<128xi32, #tpu.memory_space<vmem>>
      %dma_wait3A_909 = arith.constant 0 : i32
      %dma_wait3A_910 = arith.constant 0 : i32
      %dma_wait3A_911 = tpu.memref_slice %arg8[%dma_wait3A_909, %dma_wait3A_910] : memref<128x128xf32, #tpu.memory_space<vmem_shared>> -> memref<128x128xf32, #tpu.memory_space<vmem_shared>>
      %dma_wait3A_912 = tpu.memref_slice %arg9[%dma_wait3A_903] : memref<4x!tpu.dma_semaphore, #tpu.memory_space<semaphore_mem>> -> memref<1x!tpu.dma_semaphore, #tpu.memory_space<semaphore_mem>>
      %dma_wait3A_913 = tpu.memref_squeeze %dma_wait3A_912 : memref<1x!tpu.dma_semaphore, #tpu.memory_space<semaphore_mem>> -> memref<!tpu.dma_semaphore, #tpu.memory_space<semaphore_mem>>
      tpu.wait_indirect_dma semaphore(%dma_wait3A_913 : memref<!tpu.dma_semaphore, #tpu.memory_space<semaphore_mem>>) src(%dma_wait3A_911 : memref<128x128xf32, #tpu.memory_space<vmem_shared>>) dst(%dma_wait3A_907 : memref<128x128xf32, #tpu.memory_space<vmem>>)
      %mul3A_914 = arith.constant 128 : i32
      %mul3A_915 = arith.muli %sub3A_899, %mul3A_914 : i32
      %add3A_916 = arith.addi %min3A_3, %mul3A_915 : i32
      %dma_start3A_917 = arith.constant 2 : i32
      %dma_start3A_918 = arith.constant 2 : i32
      %dma_start3A_919 = arith.constant 0 : i32
      %dma_start3A_920 = arith.constant 0 : i32
      %dma_start3A_921 = tpu.memref_slice %arg6[%dma_start3A_917, %dma_start3A_919, %dma_start3A_920] : memref<4x128x128xf32, #tpu.memory_space<vmem>> -> memref<1x128x128xf32, #tpu.memory_space<vmem>>
      %dma_start3A_922 = tpu.memref_squeeze %dma_start3A_921 : memref<1x128x128xf32, #tpu.memory_space<vmem>> -> memref<128x128xf32, #tpu.memory_space<vmem>>
      %dma_start3A_923 = arith.constant 0 : i32
      %dma_start3A_924 = tpu.memref_slice %arg4[%add3A_916, %dma_start3A_923] : memref<100000x480xf32, #tpu.memory_space<hbm>> -> memref<128x128xf32, #tpu.memory_space<hbm>>
      %dma_start3A_925 = tpu.memref_slice %arg10[%dma_start3A_918] : memref<4x!tpu.dma_semaphore, #tpu.memory_space<semaphore_mem>> -> memref<1x!tpu.dma_semaphore, #tpu.memory_space<semaphore_mem>>
      %dma_start3A_926 = tpu.memref_squeeze %dma_start3A_925 : memref<1x!tpu.dma_semaphore, #tpu.memory_space<semaphore_mem>> -> memref<!tpu.dma_semaphore, #tpu.memory_space<semaphore_mem>>
      %dma_start3A_927 = arith.constant 0 : i32
      %dma_start3A_928 = tpu.memref_slice %arg4[%add3A_916, %dma_start3A_927] : memref<100000x480xf32, #tpu.memory_space<hbm>> -> memref<128x128xf32, #tpu.memory_space<hbm>>
      %dma_start3A_929 = arith.constant 0 : i32
      %dma_start3A_930 = arith.constant 0 : i32
      %dma_start3A_931 = tpu.memref_slice %arg6[%dma_start3A_917, %dma_start3A_929, %dma_start3A_930] : memref<4x128x128xf32, #tpu.memory_space<vmem>> -> memref<1x128x128xf32, #tpu.memory_space<vmem>>
      %dma_start3A_932 = tpu.memref_squeeze %dma_start3A_931 : memref<1x128x128xf32, #tpu.memory_space<vmem>> -> memref<128x128xf32, #tpu.memory_space<vmem>>
      tpu.enqueue_dma source(%dma_start3A_932 : memref<128x128xf32, #tpu.memory_space<vmem>>) target(%dma_start3A_928 : memref<128x128xf32, #tpu.memory_space<hbm>>) target_semaphore(%dma_start3A_926 : memref<!tpu.dma_semaphore, #tpu.memory_space<semaphore_mem>>)
    }
    %scan3A_313 = arith.constant 5 : i32
    %add3A_314 = arith.constant 2560 : i32
    %add3A_315 = arith.addi %min3A_3, %add3A_314 : i32
    %dma_wait3A_316 = arith.constant 0 : i32
    %dma_wait3A_317 = arith.constant 0 : i32
    %dma_wait3A_318 = arith.constant 0 : i32
    %dma_wait3A_319 = arith.constant 0 : i32
    %dma_wait3A_320 = tpu.memref_slice %arg6[%dma_wait3A_316, %dma_wait3A_318, %dma_wait3A_319] : memref<4x128x128xf32, #tpu.memory_space<vmem>> -> memref<1x128x128xf32, #tpu.memory_space<vmem>>
    %dma_wait3A_321 = tpu.memref_squeeze %dma_wait3A_320 : memref<1x128x128xf32, #tpu.memory_space<vmem>> -> memref<128x128xf32, #tpu.memory_space<vmem>>
    %dma_wait3A_322 = arith.constant 0 : i32
    %dma_wait3A_323 = tpu.memref_slice %arg4[%add3A_315, %dma_wait3A_322] : memref<100000x480xf32, #tpu.memory_space<hbm>> -> memref<128x128xf32, #tpu.memory_space<hbm>>
    %dma_wait3A_324 = tpu.memref_slice %arg10[%dma_wait3A_317] : memref<4x!tpu.dma_semaphore, #tpu.memory_space<semaphore_mem>> -> memref<1x!tpu.dma_semaphore, #tpu.memory_space<semaphore_mem>>
    %dma_wait3A_325 = tpu.memref_squeeze %dma_wait3A_324 : memref<1x!tpu.dma_semaphore, #tpu.memory_space<semaphore_mem>> -> memref<!tpu.dma_semaphore, #tpu.memory_space<semaphore_mem>>
    %dma_wait3A_326 = arith.constant 0 : i32
    %dma_wait3A_327 = tpu.memref_slice %arg4[%add3A_315, %dma_wait3A_326] : memref<100000x480xf32, #tpu.memory_space<hbm>> -> memref<128x128xf32, #tpu.memory_space<hbm>>
    %dma_wait3A_328 = arith.constant 0 : i32
    %dma_wait3A_329 = arith.constant 0 : i32
    %dma_wait3A_330 = tpu.memref_slice %arg6[%dma_wait3A_316, %dma_wait3A_328, %dma_wait3A_329] : memref<4x128x128xf32, #tpu.memory_space<vmem>> -> memref<1x128x128xf32, #tpu.memory_space<vmem>>
    %dma_wait3A_331 = tpu.memref_squeeze %dma_wait3A_330 : memref<1x128x128xf32, #tpu.memory_space<vmem>> -> memref<128x128xf32, #tpu.memory_space<vmem>>
    tpu.wait_dma2 semaphore(%dma_wait3A_325 : memref<!tpu.dma_semaphore, #tpu.memory_space<semaphore_mem>>) src(%dma_wait3A_331 : memref<128x128xf32, #tpu.memory_space<vmem>>) dst(%dma_wait3A_327 : memref<128x128xf32, #tpu.memory_space<hbm>>)
    %dma_start3A_332 = arith.constant 0 : i32
    %dma_start3A_333 = arith.constant 0 : i32
    %dma_start3A_334 = arith.constant 0 : i32
    %dma_start3A_335 = arith.constant 0 : i32
    %dma_start3A_336 = tpu.memref_slice %arg6[%dma_start3A_332, %dma_start3A_334, %dma_start3A_335] : memref<4x128x128xf32, #tpu.memory_space<vmem>> -> memref<1x128x128xf32, #tpu.memory_space<vmem>>
    %dma_start3A_337 = tpu.memref_squeeze %dma_start3A_336 : memref<1x128x128xf32, #tpu.memory_space<vmem>> -> memref<128x128xf32, #tpu.memory_space<vmem>>
    %dma_start3A_338 = arith.constant 3072 : i32
    %dma_start3A_339 = tpu.memref_slice %arg5[%dma_start3A_338] : memref<3200xi32, #tpu.memory_space<vmem>> -> memref<128xi32, #tpu.memory_space<vmem>>
    %dma_start3A_340 = arith.constant 0 : i32
    %dma_start3A_341 = arith.constant 0 : i32
    %dma_start3A_342 = tpu.memref_slice %arg8[%dma_start3A_340, %dma_start3A_341] : memref<128x128xf32, #tpu.memory_space<vmem_shared>> -> memref<128x128xf32, #tpu.memory_space<vmem_shared>>
    %dma_start3A_343 = tpu.memref_slice %arg9[%dma_start3A_333] : memref<4x!tpu.dma_semaphore, #tpu.memory_space<semaphore_mem>> -> memref<1x!tpu.dma_semaphore, #tpu.memory_space<semaphore_mem>>
    %dma_start3A_344 = tpu.memref_squeeze %dma_start3A_343 : memref<1x!tpu.dma_semaphore, #tpu.memory_space<semaphore_mem>> -> memref<!tpu.dma_semaphore, #tpu.memory_space<semaphore_mem>>
    tpu.enqueue_indirect_dma source(%dma_start3A_342 : memref<128x128xf32, #tpu.memory_space<vmem_shared>>) target(%dma_start3A_337 : memref<128x128xf32, #tpu.memory_space<vmem>>) offsets(%dma_start3A_339 : memref<128xi32, #tpu.memory_space<vmem>>) semaphore(%dma_start3A_344 : memref<!tpu.dma_semaphore, #tpu.memory_space<semaphore_mem>>)
    %dma_wait3A_345 = arith.constant 3 : i32
    %dma_wait3A_346 = arith.constant 3 : i32
    %dma_wait3A_347 = arith.constant 0 : i32
    %dma_wait3A_348 = arith.constant 0 : i32
    %dma_wait3A_349 = tpu.memref_slice %arg6[%dma_wait3A_345, %dma_wait3A_347, %dma_wait3A_348] : memref<4x128x128xf32, #tpu.memory_space<vmem>> -> memref<1x128x128xf32, #tpu.memory_space<vmem>>
    %dma_wait3A_350 = tpu.memref_squeeze %dma_wait3A_349 : memref<1x128x128xf32, #tpu.memory_space<vmem>> -> memref<128x128xf32, #tpu.memory_space<vmem>>
    %dma_wait3A_351 = arith.constant 2944 : i32
    %dma_wait3A_352 = tpu.memref_slice %arg5[%dma_wait3A_351] : memref<3200xi32, #tpu.memory_space<vmem>> -> memref<128xi32, #tpu.memory_space<vmem>>
    %dma_wait3A_353 = arith.constant 0 : i32
    %dma_wait3A_354 = arith.constant 0 : i32
    %dma_wait3A_355 = tpu.memref_slice %arg8[%dma_wait3A_353, %dma_wait3A_354] : memref<128x128xf32, #tpu.memory_space<vmem_shared>> -> memref<128x128xf32, #tpu.memory_space<vmem_shared>>
    %dma_wait3A_356 = tpu.memref_slice %arg9[%dma_wait3A_346] : memref<4x!tpu.dma_semaphore, #tpu.memory_space<semaphore_mem>> -> memref<1x!tpu.dma_semaphore, #tpu.memory_space<semaphore_mem>>
    %dma_wait3A_357 = tpu.memref_squeeze %dma_wait3A_356 : memref<1x!tpu.dma_semaphore, #tpu.memory_space<semaphore_mem>> -> memref<!tpu.dma_semaphore, #tpu.memory_space<semaphore_mem>>
    tpu.wait_indirect_dma semaphore(%dma_wait3A_357 : memref<!tpu.dma_semaphore, #tpu.memory_space<semaphore_mem>>) src(%dma_wait3A_355 : memref<128x128xf32, #tpu.memory_space<vmem_shared>>) dst(%dma_wait3A_350 : memref<128x128xf32, #tpu.memory_space<vmem>>)
    %add3A_358 = arith.constant 2944 : i32
    %add3A_359 = arith.addi %min3A_3, %add3A_358 : i32
    %dma_start3A_360 = arith.constant 3 : i32
    %dma_start3A_361 = arith.constant 3 : i32
    %dma_start3A_362 = arith.constant 0 : i32
    %dma_start3A_363 = arith.constant 0 : i32
    %dma_start3A_364 = tpu.memref_slice %arg6[%dma_start3A_360, %dma_start3A_362, %dma_start3A_363] : memref<4x128x128xf32, #tpu.memory_space<vmem>> -> memref<1x128x128xf32, #tpu.memory_space<vmem>>
    %dma_start3A_365 = tpu.memref_squeeze %dma_start3A_364 : memref<1x128x128xf32, #tpu.memory_space<vmem>> -> memref<128x128xf32, #tpu.memory_space<vmem>>
    %dma_start3A_366 = arith.constant 0 : i32
    %dma_start3A_367 = tpu.memref_slice %arg4[%add3A_359, %dma_start3A_366] : memref<100000x480xf32, #tpu.memory_space<hbm>> -> memref<128x128xf32, #tpu.memory_space<hbm>>
    %dma_start3A_368 = tpu.memref_slice %arg10[%dma_start3A_361] : memref<4x!tpu.dma_semaphore, #tpu.memory_space<semaphore_mem>> -> memref<1x!tpu.dma_semaphore, #tpu.memory_space<semaphore_mem>>
    %dma_start3A_369 = tpu.memref_squeeze %dma_start3A_368 : memref<1x!tpu.dma_semaphore, #tpu.memory_space<semaphore_mem>> -> memref<!tpu.dma_semaphore, #tpu.memory_space<semaphore_mem>>
    %dma_start3A_370 = arith.constant 0 : i32
    %dma_start3A_371 = tpu.memref_slice %arg4[%add3A_359, %dma_start3A_370] : memref<100000x480xf32, #tpu.memory_space<hbm>> -> memref<128x128xf32, #tpu.memory_space<hbm>>
    %dma_start3A_372 = arith.constant 0 : i32
    %dma_start3A_373 = arith.constant 0 : i32
    %dma_start3A_374 = tpu.memref_slice %arg6[%dma_start3A_360, %dma_start3A_372, %dma_start3A_373] : memref<4x128x128xf32, #tpu.memory_space<vmem>> -> memref<1x128x128xf32, #tpu.memory_space<vmem>>
    %dma_start3A_375 = tpu.memref_squeeze %dma_start3A_374 : memref<1x128x128xf32, #tpu.memory_space<vmem>> -> memref<128x128xf32, #tpu.memory_space<vmem>>
    tpu.enqueue_dma source(%dma_start3A_375 : memref<128x128xf32, #tpu.memory_space<vmem>>) target(%dma_start3A_371 : memref<128x128xf32, #tpu.memory_space<hbm>>) target_semaphore(%dma_start3A_369 : memref<!tpu.dma_semaphore, #tpu.memory_space<semaphore_mem>>)
    %dma_wait3A_376 = arith.constant 0 : i32
    %dma_wait3A_377 = arith.constant 0 : i32
    %dma_wait3A_378 = arith.constant 0 : i32
    %dma_wait3A_379 = arith.constant 0 : i32
    %dma_wait3A_380 = tpu.memref_slice %arg6[%dma_wait3A_376, %dma_wait3A_378, %dma_wait3A_379] : memref<4x128x128xf32, #tpu.memory_space<vmem>> -> memref<1x128x128xf32, #tpu.memory_space<vmem>>
    %dma_wait3A_381 = tpu.memref_squeeze %dma_wait3A_380 : memref<1x128x128xf32, #tpu.memory_space<vmem>> -> memref<128x128xf32, #tpu.memory_space<vmem>>
    %dma_wait3A_382 = arith.constant 3072 : i32
    %dma_wait3A_383 = tpu.memref_slice %arg5[%dma_wait3A_382] : memref<3200xi32, #tpu.memory_space<vmem>> -> memref<128xi32, #tpu.memory_space<vmem>>
    %dma_wait3A_384 = arith.constant 0 : i32
    %dma_wait3A_385 = arith.constant 0 : i32
    %dma_wait3A_386 = tpu.memref_slice %arg8[%dma_wait3A_384, %dma_wait3A_385] : memref<128x128xf32, #tpu.memory_space<vmem_shared>> -> memref<128x128xf32, #tpu.memory_space<vmem_shared>>
    %dma_wait3A_387 = tpu.memref_slice %arg9[%dma_wait3A_377] : memref<4x!tpu.dma_semaphore, #tpu.memory_space<semaphore_mem>> -> memref<1x!tpu.dma_semaphore, #tpu.memory_space<semaphore_mem>>
    %dma_wait3A_388 = tpu.memref_squeeze %dma_wait3A_387 : memref<1x!tpu.dma_semaphore, #tpu.memory_space<semaphore_mem>> -> memref<!tpu.dma_semaphore, #tpu.memory_space<semaphore_mem>>
    tpu.wait_indirect_dma semaphore(%dma_wait3A_388 : memref<!tpu.dma_semaphore, #tpu.memory_space<semaphore_mem>>) src(%dma_wait3A_386 : memref<128x128xf32, #tpu.memory_space<vmem_shared>>) dst(%dma_wait3A_381 : memref<128x128xf32, #tpu.memory_space<vmem>>)
    %add3A_389 = arith.constant 3072 : i32
    %add3A_390 = arith.addi %min3A_3, %add3A_389 : i32
    %dma_start3A_391 = arith.constant 0 : i32
    %dma_start3A_392 = arith.constant 0 : i32
    %dma_start3A_393 = arith.constant 0 : i32
    %dma_start3A_394 = arith.constant 0 : i32
    %dma_start3A_395 = tpu.memref_slice %arg6[%dma_start3A_391, %dma_start3A_393, %dma_start3A_394] : memref<4x128x128xf32, #tpu.memory_space<vmem>> -> memref<1x128x128xf32, #tpu.memory_space<vmem>>
    %dma_start3A_396 = tpu.memref_squeeze %dma_start3A_395 : memref<1x128x128xf32, #tpu.memory_space<vmem>> -> memref<128x128xf32, #tpu.memory_space<vmem>>
    %dma_start3A_397 = arith.constant 0 : i32
    %dma_start3A_398 = tpu.memref_slice %arg4[%add3A_390, %dma_start3A_397] : memref<100000x480xf32, #tpu.memory_space<hbm>> -> memref<128x128xf32, #tpu.memory_space<hbm>>
    %dma_start3A_399 = tpu.memref_slice %arg10[%dma_start3A_392] : memref<4x!tpu.dma_semaphore, #tpu.memory_space<semaphore_mem>> -> memref<1x!tpu.dma_semaphore, #tpu.memory_space<semaphore_mem>>
    %dma_start3A_400 = tpu.memref_squeeze %dma_start3A_399 : memref<1x!tpu.dma_semaphore, #tpu.memory_space<semaphore_mem>> -> memref<!tpu.dma_semaphore, #tpu.memory_space<semaphore_mem>>
    %dma_start3A_401 = arith.constant 0 : i32
    %dma_start3A_402 = tpu.memref_slice %arg4[%add3A_390, %dma_start3A_401] : memref<100000x480xf32, #tpu.memory_space<hbm>> -> memref<128x128xf32, #tpu.memory_space<hbm>>
    %dma_start3A_403 = arith.constant 0 : i32
    %dma_start3A_404 = arith.constant 0 : i32
    %dma_start3A_405 = tpu.memref_slice %arg6[%dma_start3A_391, %dma_start3A_403, %dma_start3A_404] : memref<4x128x128xf32, #tpu.memory_space<vmem>> -> memref<1x128x128xf32, #tpu.memory_space<vmem>>
    %dma_start3A_406 = tpu.memref_squeeze %dma_start3A_405 : memref<1x128x128xf32, #tpu.memory_space<vmem>> -> memref<128x128xf32, #tpu.memory_space<vmem>>
    tpu.enqueue_dma source(%dma_start3A_406 : memref<128x128xf32, #tpu.memory_space<vmem>>) target(%dma_start3A_402 : memref<128x128xf32, #tpu.memory_space<hbm>>) target_semaphore(%dma_start3A_400 : memref<!tpu.dma_semaphore, #tpu.memory_space<semaphore_mem>>)
    %add3A_407 = arith.constant 2688 : i32
    %add3A_408 = arith.addi %min3A_3, %add3A_407 : i32
    %dma_wait3A_409 = arith.constant 1 : i32
    %dma_wait3A_410 = arith.constant 1 : i32
    %dma_wait3A_411 = arith.constant 0 : i32
    %dma_wait3A_412 = arith.constant 0 : i32
    %dma_wait3A_413 = tpu.memref_slice %arg6[%dma_wait3A_409, %dma_wait3A_411, %dma_wait3A_412] : memref<4x128x128xf32, #tpu.memory_space<vmem>> -> memref<1x128x128xf32, #tpu.memory_space<vmem>>
    %dma_wait3A_414 = tpu.memref_squeeze %dma_wait3A_413 : memref<1x128x128xf32, #tpu.memory_space<vmem>> -> memref<128x128xf32, #tpu.memory_space<vmem>>
    %dma_wait3A_415 = arith.constant 0 : i32
    %dma_wait3A_416 = tpu.memref_slice %arg4[%add3A_408, %dma_wait3A_415] : memref<100000x480xf32, #tpu.memory_space<hbm>> -> memref<128x128xf32, #tpu.memory_space<hbm>>
    %dma_wait3A_417 = tpu.memref_slice %arg10[%dma_wait3A_410] : memref<4x!tpu.dma_semaphore, #tpu.memory_space<semaphore_mem>> -> memref<1x!tpu.dma_semaphore, #tpu.memory_space<semaphore_mem>>
    %dma_wait3A_418 = tpu.memref_squeeze %dma_wait3A_417 : memref<1x!tpu.dma_semaphore, #tpu.memory_space<semaphore_mem>> -> memref<!tpu.dma_semaphore, #tpu.memory_space<semaphore_mem>>
    %dma_wait3A_419 = arith.constant 0 : i32
    %dma_wait3A_420 = tpu.memref_slice %arg4[%add3A_408, %dma_wait3A_419] : memref<100000x480xf32, #tpu.memory_space<hbm>> -> memref<128x128xf32, #tpu.memory_space<hbm>>
    %dma_wait3A_421 = arith.constant 0 : i32
    %dma_wait3A_422 = arith.constant 0 : i32
    %dma_wait3A_423 = tpu.memref_slice %arg6[%dma_wait3A_409, %dma_wait3A_421, %dma_wait3A_422] : memref<4x128x128xf32, #tpu.memory_space<vmem>> -> memref<1x128x128xf32, #tpu.memory_space<vmem>>
    %dma_wait3A_424 = tpu.memref_squeeze %dma_wait3A_423 : memref<1x128x128xf32, #tpu.memory_space<vmem>> -> memref<128x128xf32, #tpu.memory_space<vmem>>
    tpu.wait_dma2 semaphore(%dma_wait3A_418 : memref<!tpu.dma_semaphore, #tpu.memory_space<semaphore_mem>>) src(%dma_wait3A_424 : memref<128x128xf32, #tpu.memory_space<vmem>>) dst(%dma_wait3A_420 : memref<128x128xf32, #tpu.memory_space<hbm>>)
    %add3A_425 = arith.constant 2816 : i32
    %add3A_426 = arith.addi %min3A_3, %add3A_425 : i32
    %dma_wait3A_427 = arith.constant 2 : i32
    %dma_wait3A_428 = arith.constant 2 : i32
    %dma_wait3A_429 = arith.constant 0 : i32
    %dma_wait3A_430 = arith.constant 0 : i32
    %dma_wait3A_431 = tpu.memref_slice %arg6[%dma_wait3A_427, %dma_wait3A_429, %dma_wait3A_430] : memref<4x128x128xf32, #tpu.memory_space<vmem>> -> memref<1x128x128xf32, #tpu.memory_space<vmem>>
    %dma_wait3A_432 = tpu.memref_squeeze %dma_wait3A_431 : memref<1x128x128xf32, #tpu.memory_space<vmem>> -> memref<128x128xf32, #tpu.memory_space<vmem>>
    %dma_wait3A_433 = arith.constant 0 : i32
    %dma_wait3A_434 = tpu.memref_slice %arg4[%add3A_426, %dma_wait3A_433] : memref<100000x480xf32, #tpu.memory_space<hbm>> -> memref<128x128xf32, #tpu.memory_space<hbm>>
    %dma_wait3A_435 = tpu.memref_slice %arg10[%dma_wait3A_428] : memref<4x!tpu.dma_semaphore, #tpu.memory_space<semaphore_mem>> -> memref<1x!tpu.dma_semaphore, #tpu.memory_space<semaphore_mem>>
    %dma_wait3A_436 = tpu.memref_squeeze %dma_wait3A_435 : memref<1x!tpu.dma_semaphore, #tpu.memory_space<semaphore_mem>> -> memref<!tpu.dma_semaphore, #tpu.memory_space<semaphore_mem>>
    %dma_wait3A_437 = arith.constant 0 : i32
    %dma_wait3A_438 = tpu.memref_slice %arg4[%add3A_426, %dma_wait3A_437] : memref<100000x480xf32, #tpu.memory_space<hbm>> -> memref<128x128xf32, #tpu.memory_space<hbm>>
    %dma_wait3A_439 = arith.constant 0 : i32
    %dma_wait3A_440 = arith.constant 0 : i32
    %dma_wait3A_441 = tpu.memref_slice %arg6[%dma_wait3A_427, %dma_wait3A_439, %dma_wait3A_440] : memref<4x128x128xf32, #tpu.memory_space<vmem>> -> memref<1x128x128xf32, #tpu.memory_space<vmem>>
    %dma_wait3A_442 = tpu.memref_squeeze %dma_wait3A_441 : memref<1x128x128xf32, #tpu.memory_space<vmem>> -> memref<128x128xf32, #tpu.memory_space<vmem>>
    tpu.wait_dma2 semaphore(%dma_wait3A_436 : memref<!tpu.dma_semaphore, #tpu.memory_space<semaphore_mem>>) src(%dma_wait3A_442 : memref<128x128xf32, #tpu.memory_space<vmem>>) dst(%dma_wait3A_438 : memref<128x128xf32, #tpu.memory_space<hbm>>)
    %add3A_443 = arith.constant 2944 : i32
    %add3A_444 = arith.addi %min3A_3, %add3A_443 : i32
    %dma_wait3A_445 = arith.constant 3 : i32
    %dma_wait3A_446 = arith.constant 3 : i32
    %dma_wait3A_447 = arith.constant 0 : i32
    %dma_wait3A_448 = arith.constant 0 : i32
    %dma_wait3A_449 = tpu.memref_slice %arg6[%dma_wait3A_445, %dma_wait3A_447, %dma_wait3A_448] : memref<4x128x128xf32, #tpu.memory_space<vmem>> -> memref<1x128x128xf32, #tpu.memory_space<vmem>>
    %dma_wait3A_450 = tpu.memref_squeeze %dma_wait3A_449 : memref<1x128x128xf32, #tpu.memory_space<vmem>> -> memref<128x128xf32, #tpu.memory_space<vmem>>
    %dma_wait3A_451 = arith.constant 0 : i32
    %dma_wait3A_452 = tpu.memref_slice %arg4[%add3A_444, %dma_wait3A_451] : memref<100000x480xf32, #tpu.memory_space<hbm>> -> memref<128x128xf32, #tpu.memory_space<hbm>>
    %dma_wait3A_453 = tpu.memref_slice %arg10[%dma_wait3A_446] : memref<4x!tpu.dma_semaphore, #tpu.memory_space<semaphore_mem>> -> memref<1x!tpu.dma_semaphore, #tpu.memory_space<semaphore_mem>>
    %dma_wait3A_454 = tpu.memref_squeeze %dma_wait3A_453 : memref<1x!tpu.dma_semaphore, #tpu.memory_space<semaphore_mem>> -> memref<!tpu.dma_semaphore, #tpu.memory_space<semaphore_mem>>
    %dma_wait3A_455 = arith.constant 0 : i32
    %dma_wait3A_456 = tpu.memref_slice %arg4[%add3A_444, %dma_wait3A_455] : memref<100000x480xf32, #tpu.memory_space<hbm>> -> memref<128x128xf32, #tpu.memory_space<hbm>>
    %dma_wait3A_457 = arith.constant 0 : i32
    %dma_wait3A_458 = arith.constant 0 : i32
    %dma_wait3A_459 = tpu.memref_slice %arg6[%dma_wait3A_445, %dma_wait3A_457, %dma_wait3A_458] : memref<4x128x128xf32, #tpu.memory_space<vmem>> -> memref<1x128x128xf32, #tpu.memory_space<vmem>>
    %dma_wait3A_460 = tpu.memref_squeeze %dma_wait3A_459 : memref<1x128x128xf32, #tpu.memory_space<vmem>> -> memref<128x128xf32, #tpu.memory_space<vmem>>
    tpu.wait_dma2 semaphore(%dma_wait3A_454 : memref<!tpu.dma_semaphore, #tpu.memory_space<semaphore_mem>>) src(%dma_wait3A_460 : memref<128x128xf32, #tpu.memory_space<vmem>>) dst(%dma_wait3A_456 : memref<128x128xf32, #tpu.memory_space<hbm>>)
    %add3A_461 = arith.constant 3072 : i32
    %add3A_462 = arith.addi %min3A_3, %add3A_461 : i32
    %dma_wait3A_463 = arith.constant 0 : i32
    %dma_wait3A_464 = arith.constant 0 : i32
    %dma_wait3A_465 = arith.constant 0 : i32
    %dma_wait3A_466 = arith.constant 0 : i32
    %dma_wait3A_467 = tpu.memref_slice %arg6[%dma_wait3A_463, %dma_wait3A_465, %dma_wait3A_466] : memref<4x128x128xf32, #tpu.memory_space<vmem>> -> memref<1x128x128xf32, #tpu.memory_space<vmem>>
    %dma_wait3A_468 = tpu.memref_squeeze %dma_wait3A_467 : memref<1x128x128xf32, #tpu.memory_space<vmem>> -> memref<128x128xf32, #tpu.memory_space<vmem>>
    %dma_wait3A_469 = arith.constant 0 : i32
    %dma_wait3A_470 = tpu.memref_slice %arg4[%add3A_462, %dma_wait3A_469] : memref<100000x480xf32, #tpu.memory_space<hbm>> -> memref<128x128xf32, #tpu.memory_space<hbm>>
    %dma_wait3A_471 = tpu.memref_slice %arg10[%dma_wait3A_464] : memref<4x!tpu.dma_semaphore, #tpu.memory_space<semaphore_mem>> -> memref<1x!tpu.dma_semaphore, #tpu.memory_space<semaphore_mem>>
    %dma_wait3A_472 = tpu.memref_squeeze %dma_wait3A_471 : memref<1x!tpu.dma_semaphore, #tpu.memory_space<semaphore_mem>> -> memref<!tpu.dma_semaphore, #tpu.memory_space<semaphore_mem>>
    %dma_wait3A_473 = arith.constant 0 : i32
    %dma_wait3A_474 = tpu.memref_slice %arg4[%add3A_462, %dma_wait3A_473] : memref<100000x480xf32, #tpu.memory_space<hbm>> -> memref<128x128xf32, #tpu.memory_space<hbm>>
    %dma_wait3A_475 = arith.constant 0 : i32
    %dma_wait3A_476 = arith.constant 0 : i32
    %dma_wait3A_477 = tpu.memref_slice %arg6[%dma_wait3A_463, %dma_wait3A_475, %dma_wait3A_476] : memref<4x128x128xf32, #tpu.memory_space<vmem>> -> memref<1x128x128xf32, #tpu.memory_space<vmem>>
    %dma_wait3A_478 = tpu.memref_squeeze %dma_wait3A_477 : memref<1x128x128xf32, #tpu.memory_space<vmem>> -> memref<128x128xf32, #tpu.memory_space<vmem>>
    tpu.wait_dma2 semaphore(%dma_wait3A_472 : memref<!tpu.dma_semaphore, #tpu.memory_space<semaphore_mem>>) src(%dma_wait3A_478 : memref<128x128xf32, #tpu.memory_space<vmem>>) dst(%dma_wait3A_474 : memref<128x128xf32, #tpu.memory_space<hbm>>)
    %add3A_479 = arith.constant 0 : i32
    %add3A_480 = arith.addi %min3A_3, %add3A_479 : i32
    %dma_wait3A_481 = arith.constant 128 : i32
    %dma_wait3A_482 = tpu.memref_slice %arg4[%add3A_480, %dma_wait3A_481] : memref<100000x480xf32, #tpu.memory_space<hbm>> -> memref<128x352xf32, #tpu.memory_space<hbm>>
    %dma_wait3A_483 = arith.constant 128 : i32
    %dma_wait3A_484 = tpu.memref_slice %arg4[%add3A_480, %dma_wait3A_483] : memref<100000x480xf32, #tpu.memory_space<hbm>> -> memref<128x352xf32, #tpu.memory_space<hbm>>
    tpu.wait_dma2 semaphore(%arg11 : memref<!tpu.dma_semaphore, #tpu.memory_space<semaphore_mem>>) src(%arg7 : memref<128x352xf32, #tpu.memory_space<vmem>>) dst(%dma_wait3A_484 : memref<128x352xf32, #tpu.memory_space<hbm>>)
    %add3A_485 = arith.constant 128 : i32
    %add3A_486 = arith.addi %min3A_3, %add3A_485 : i32
    %dma_wait3A_487 = arith.constant 128 : i32
    %dma_wait3A_488 = tpu.memref_slice %arg4[%add3A_486, %dma_wait3A_487] : memref<100000x480xf32, #tpu.memory_space<hbm>> -> memref<128x352xf32, #tpu.memory_space<hbm>>
    %dma_wait3A_489 = arith.constant 128 : i32
    %dma_wait3A_490 = tpu.memref_slice %arg4[%add3A_486, %dma_wait3A_489] : memref<100000x480xf32, #tpu.memory_space<hbm>> -> memref<128x352xf32, #tpu.memory_space<hbm>>
    tpu.wait_dma2 semaphore(%arg11 : memref<!tpu.dma_semaphore, #tpu.memory_space<semaphore_mem>>) src(%arg7 : memref<128x352xf32, #tpu.memory_space<vmem>>) dst(%dma_wait3A_490 : memref<128x352xf32, #tpu.memory_space<hbm>>)
    %add3A_491 = arith.constant 256 : i32
    %add3A_492 = arith.addi %min3A_3, %add3A_491 : i32
    %dma_wait3A_493 = arith.constant 128 : i32
    %dma_wait3A_494 = tpu.memref_slice %arg4[%add3A_492, %dma_wait3A_493] : memref<100000x480xf32, #tpu.memory_space<hbm>> -> memref<128x352xf32, #tpu.memory_space<hbm>>
    %dma_wait3A_495 = arith.constant 128 : i32
    %dma_wait3A_496 = tpu.memref_slice %arg4[%add3A_492, %dma_wait3A_495] : memref<100000x480xf32, #tpu.memory_space<hbm>> -> memref<128x352xf32, #tpu.memory_space<hbm>>
    tpu.wait_dma2 semaphore(%arg11 : memref<!tpu.dma_semaphore, #tpu.memory_space<semaphore_mem>>) src(%arg7 : memref<128x352xf32, #tpu.memory_space<vmem>>) dst(%dma_wait3A_496 : memref<128x352xf32, #tpu.memory_space<hbm>>)
    %add3A_497 = arith.constant 384 : i32
    %add3A_498 = arith.addi %min3A_3, %add3A_497 : i32
    %dma_wait3A_499 = arith.constant 128 : i32
    %dma_wait3A_500 = tpu.memref_slice %arg4[%add3A_498, %dma_wait3A_499] : memref<100000x480xf32, #tpu.memory_space<hbm>> -> memref<128x352xf32, #tpu.memory_space<hbm>>
    %dma_wait3A_501 = arith.constant 128 : i32
    %dma_wait3A_502 = tpu.memref_slice %arg4[%add3A_498, %dma_wait3A_501] : memref<100000x480xf32, #tpu.memory_space<hbm>> -> memref<128x352xf32, #tpu.memory_space<hbm>>
    tpu.wait_dma2 semaphore(%arg11 : memref<!tpu.dma_semaphore, #tpu.memory_space<semaphore_mem>>) src(%arg7 : memref<128x352xf32, #tpu.memory_space<vmem>>) dst(%dma_wait3A_502 : memref<128x352xf32, #tpu.memory_space<hbm>>)
    %add3A_503 = arith.constant 512 : i32
    %add3A_504 = arith.addi %min3A_3, %add3A_503 : i32
    %dma_wait3A_505 = arith.constant 128 : i32
    %dma_wait3A_506 = tpu.memref_slice %arg4[%add3A_504, %dma_wait3A_505] : memref<100000x480xf32, #tpu.memory_space<hbm>> -> memref<128x352xf32, #tpu.memory_space<hbm>>
    %dma_wait3A_507 = arith.constant 128 : i32
    %dma_wait3A_508 = tpu.memref_slice %arg4[%add3A_504, %dma_wait3A_507] : memref<100000x480xf32, #tpu.memory_space<hbm>> -> memref<128x352xf32, #tpu.memory_space<hbm>>
    tpu.wait_dma2 semaphore(%arg11 : memref<!tpu.dma_semaphore, #tpu.memory_space<semaphore_mem>>) src(%arg7 : memref<128x352xf32, #tpu.memory_space<vmem>>) dst(%dma_wait3A_508 : memref<128x352xf32, #tpu.memory_space<hbm>>)
    %add3A_509 = arith.constant 640 : i32
    %add3A_510 = arith.addi %min3A_3, %add3A_509 : i32
    %dma_wait3A_511 = arith.constant 128 : i32
    %dma_wait3A_512 = tpu.memref_slice %arg4[%add3A_510, %dma_wait3A_511] : memref<100000x480xf32, #tpu.memory_space<hbm>> -> memref<128x352xf32, #tpu.memory_space<hbm>>
    %dma_wait3A_513 = arith.constant 128 : i32
    %dma_wait3A_514 = tpu.memref_slice %arg4[%add3A_510, %dma_wait3A_513] : memref<100000x480xf32, #tpu.memory_space<hbm>> -> memref<128x352xf32, #tpu.memory_space<hbm>>
    tpu.wait_dma2 semaphore(%arg11 : memref<!tpu.dma_semaphore, #tpu.memory_space<semaphore_mem>>) src(%arg7 : memref<128x352xf32, #tpu.memory_space<vmem>>) dst(%dma_wait3A_514 : memref<128x352xf32, #tpu.memory_space<hbm>>)
    %add3A_515 = arith.constant 768 : i32
    %add3A_516 = arith.addi %min3A_3, %add3A_515 : i32
    %dma_wait3A_517 = arith.constant 128 : i32
    %dma_wait3A_518 = tpu.memref_slice %arg4[%add3A_516, %dma_wait3A_517] : memref<100000x480xf32, #tpu.memory_space<hbm>> -> memref<128x352xf32, #tpu.memory_space<hbm>>
    %dma_wait3A_519 = arith.constant 128 : i32
    %dma_wait3A_520 = tpu.memref_slice %arg4[%add3A_516, %dma_wait3A_519] : memref<100000x480xf32, #tpu.memory_space<hbm>> -> memref<128x352xf32, #tpu.memory_space<hbm>>
    tpu.wait_dma2 semaphore(%arg11 : memref<!tpu.dma_semaphore, #tpu.memory_space<semaphore_mem>>) src(%arg7 : memref<128x352xf32, #tpu.memory_space<vmem>>) dst(%dma_wait3A_520 : memref<128x352xf32, #tpu.memory_space<hbm>>)
    %add3A_521 = arith.constant 896 : i32
    %add3A_522 = arith.addi %min3A_3, %add3A_521 : i32
    %dma_wait3A_523 = arith.constant 128 : i32
    %dma_wait3A_524 = tpu.memref_slice %arg4[%add3A_522, %dma_wait3A_523] : memref<100000x480xf32, #tpu.memory_space<hbm>> -> memref<128x352xf32, #tpu.memory_space<hbm>>
    %dma_wait3A_525 = arith.constant 128 : i32
    %dma_wait3A_526 = tpu.memref_slice %arg4[%add3A_522, %dma_wait3A_525] : memref<100000x480xf32, #tpu.memory_space<hbm>> -> memref<128x352xf32, #tpu.memory_space<hbm>>
    tpu.wait_dma2 semaphore(%arg11 : memref<!tpu.dma_semaphore, #tpu.memory_space<semaphore_mem>>) src(%arg7 : memref<128x352xf32, #tpu.memory_space<vmem>>) dst(%dma_wait3A_526 : memref<128x352xf32, #tpu.memory_space<hbm>>)
    %add3A_527 = arith.constant 1024 : i32
    %add3A_528 = arith.addi %min3A_3, %add3A_527 : i32
    %dma_wait3A_529 = arith.constant 128 : i32
    %dma_wait3A_530 = tpu.memref_slice %arg4[%add3A_528, %dma_wait3A_529] : memref<100000x480xf32, #tpu.memory_space<hbm>> -> memref<128x352xf32, #tpu.memory_space<hbm>>
    %dma_wait3A_531 = arith.constant 128 : i32
    %dma_wait3A_532 = tpu.memref_slice %arg4[%add3A_528, %dma_wait3A_531] : memref<100000x480xf32, #tpu.memory_space<hbm>> -> memref<128x352xf32, #tpu.memory_space<hbm>>
    tpu.wait_dma2 semaphore(%arg11 : memref<!tpu.dma_semaphore, #tpu.memory_space<semaphore_mem>>) src(%arg7 : memref<128x352xf32, #tpu.memory_space<vmem>>) dst(%dma_wait3A_532 : memref<128x352xf32, #tpu.memory_space<hbm>>)
    %add3A_533 = arith.constant 1152 : i32
    %add3A_534 = arith.addi %min3A_3, %add3A_533 : i32
    %dma_wait3A_535 = arith.constant 128 : i32
    %dma_wait3A_536 = tpu.memref_slice %arg4[%add3A_534, %dma_wait3A_535] : memref<100000x480xf32, #tpu.memory_space<hbm>> -> memref<128x352xf32, #tpu.memory_space<hbm>>
    %dma_wait3A_537 = arith.constant 128 : i32
    %dma_wait3A_538 = tpu.memref_slice %arg4[%add3A_534, %dma_wait3A_537] : memref<100000x480xf32, #tpu.memory_space<hbm>> -> memref<128x352xf32, #tpu.memory_space<hbm>>
    tpu.wait_dma2 semaphore(%arg11 : memref<!tpu.dma_semaphore, #tpu.memory_space<semaphore_mem>>) src(%arg7 : memref<128x352xf32, #tpu.memory_space<vmem>>) dst(%dma_wait3A_538 : memref<128x352xf32, #tpu.memory_space<hbm>>)
    %add3A_539 = arith.constant 1280 : i32
    %add3A_540 = arith.addi %min3A_3, %add3A_539 : i32
    %dma_wait3A_541 = arith.constant 128 : i32
    %dma_wait3A_542 = tpu.memref_slice %arg4[%add3A_540, %dma_wait3A_541] : memref<100000x480xf32, #tpu.memory_space<hbm>> -> memref<128x352xf32, #tpu.memory_space<hbm>>
    %dma_wait3A_543 = arith.constant 128 : i32
    %dma_wait3A_544 = tpu.memref_slice %arg4[%add3A_540, %dma_wait3A_543] : memref<100000x480xf32, #tpu.memory_space<hbm>> -> memref<128x352xf32, #tpu.memory_space<hbm>>
    tpu.wait_dma2 semaphore(%arg11 : memref<!tpu.dma_semaphore, #tpu.memory_space<semaphore_mem>>) src(%arg7 : memref<128x352xf32, #tpu.memory_space<vmem>>) dst(%dma_wait3A_544 : memref<128x352xf32, #tpu.memory_space<hbm>>)
    %add3A_545 = arith.constant 1408 : i32
    %add3A_546 = arith.addi %min3A_3, %add3A_545 : i32
    %dma_wait3A_547 = arith.constant 128 : i32
    %dma_wait3A_548 = tpu.memref_slice %arg4[%add3A_546, %dma_wait3A_547] : memref<100000x480xf32, #tpu.memory_space<hbm>> -> memref<128x352xf32, #tpu.memory_space<hbm>>
    %dma_wait3A_549 = arith.constant 128 : i32
    %dma_wait3A_550 = tpu.memref_slice %arg4[%add3A_546, %dma_wait3A_549] : memref<100000x480xf32, #tpu.memory_space<hbm>> -> memref<128x352xf32, #tpu.memory_space<hbm>>
    tpu.wait_dma2 semaphore(%arg11 : memref<!tpu.dma_semaphore, #tpu.memory_space<semaphore_mem>>) src(%arg7 : memref<128x352xf32, #tpu.memory_space<vmem>>) dst(%dma_wait3A_550 : memref<128x352xf32, #tpu.memory_space<hbm>>)
    %add3A_551 = arith.constant 1536 : i32
    %add3A_552 = arith.addi %min3A_3, %add3A_551 : i32
    %dma_wait3A_553 = arith.constant 128 : i32
    %dma_wait3A_554 = tpu.memref_slice %arg4[%add3A_552, %dma_wait3A_553] : memref<100000x480xf32, #tpu.memory_space<hbm>> -> memref<128x352xf32, #tpu.memory_space<hbm>>
    %dma_wait3A_555 = arith.constant 128 : i32
    %dma_wait3A_556 = tpu.memref_slice %arg4[%add3A_552, %dma_wait3A_555] : memref<100000x480xf32, #tpu.memory_space<hbm>> -> memref<128x352xf32, #tpu.memory_space<hbm>>
    tpu.wait_dma2 semaphore(%arg11 : memref<!tpu.dma_semaphore, #tpu.memory_space<semaphore_mem>>) src(%arg7 : memref<128x352xf32, #tpu.memory_space<vmem>>) dst(%dma_wait3A_556 : memref<128x352xf32, #tpu.memory_space<hbm>>)
    %add3A_557 = arith.constant 1664 : i32
    %add3A_558 = arith.addi %min3A_3, %add3A_557 : i32
    %dma_wait3A_559 = arith.constant 128 : i32
    %dma_wait3A_560 = tpu.memref_slice %arg4[%add3A_558, %dma_wait3A_559] : memref<100000x480xf32, #tpu.memory_space<hbm>> -> memref<128x352xf32, #tpu.memory_space<hbm>>
    %dma_wait3A_561 = arith.constant 128 : i32
    %dma_wait3A_562 = tpu.memref_slice %arg4[%add3A_558, %dma_wait3A_561] : memref<100000x480xf32, #tpu.memory_space<hbm>> -> memref<128x352xf32, #tpu.memory_space<hbm>>
    tpu.wait_dma2 semaphore(%arg11 : memref<!tpu.dma_semaphore, #tpu.memory_space<semaphore_mem>>) src(%arg7 : memref<128x352xf32, #tpu.memory_space<vmem>>) dst(%dma_wait3A_562 : memref<128x352xf32, #tpu.memory_space<hbm>>)
    %add3A_563 = arith.constant 1792 : i32
    %add3A_564 = arith.addi %min3A_3, %add3A_563 : i32
    %dma_wait3A_565 = arith.constant 128 : i32
    %dma_wait3A_566 = tpu.memref_slice %arg4[%add3A_564, %dma_wait3A_565] : memref<100000x480xf32, #tpu.memory_space<hbm>> -> memref<128x352xf32, #tpu.memory_space<hbm>>
    %dma_wait3A_567 = arith.constant 128 : i32
    %dma_wait3A_568 = tpu.memref_slice %arg4[%add3A_564, %dma_wait3A_567] : memref<100000x480xf32, #tpu.memory_space<hbm>> -> memref<128x352xf32, #tpu.memory_space<hbm>>
    tpu.wait_dma2 semaphore(%arg11 : memref<!tpu.dma_semaphore, #tpu.memory_space<semaphore_mem>>) src(%arg7 : memref<128x352xf32, #tpu.memory_space<vmem>>) dst(%dma_wait3A_568 : memref<128x352xf32, #tpu.memory_space<hbm>>)
    %add3A_569 = arith.constant 1920 : i32
    %add3A_570 = arith.addi %min3A_3, %add3A_569 : i32
    %dma_wait3A_571 = arith.constant 128 : i32
    %dma_wait3A_572 = tpu.memref_slice %arg4[%add3A_570, %dma_wait3A_571] : memref<100000x480xf32, #tpu.memory_space<hbm>> -> memref<128x352xf32, #tpu.memory_space<hbm>>
    %dma_wait3A_573 = arith.constant 128 : i32
    %dma_wait3A_574 = tpu.memref_slice %arg4[%add3A_570, %dma_wait3A_573] : memref<100000x480xf32, #tpu.memory_space<hbm>> -> memref<128x352xf32, #tpu.memory_space<hbm>>
    tpu.wait_dma2 semaphore(%arg11 : memref<!tpu.dma_semaphore, #tpu.memory_space<semaphore_mem>>) src(%arg7 : memref<128x352xf32, #tpu.memory_space<vmem>>) dst(%dma_wait3A_574 : memref<128x352xf32, #tpu.memory_space<hbm>>)
    %add3A_575 = arith.constant 2048 : i32
    %add3A_576 = arith.addi %min3A_3, %add3A_575 : i32
    %dma_wait3A_577 = arith.constant 128 : i32
    %dma_wait3A_578 = tpu.memref_slice %arg4[%add3A_576, %dma_wait3A_577] : memref<100000x480xf32, #tpu.memory_space<hbm>> -> memref<128x352xf32, #tpu.memory_space<hbm>>
    %dma_wait3A_579 = arith.constant 128 : i32
    %dma_wait3A_580 = tpu.memref_slice %arg4[%add3A_576, %dma_wait3A_579] : memref<100000x480xf32, #tpu.memory_space<hbm>> -> memref<128x352xf32, #tpu.memory_space<hbm>>
    tpu.wait_dma2 semaphore(%arg11 : memref<!tpu.dma_semaphore, #tpu.memory_space<semaphore_mem>>) src(%arg7 : memref<128x352xf32, #tpu.memory_space<vmem>>) dst(%dma_wait3A_580 : memref<128x352xf32, #tpu.memory_space<hbm>>)
    %add3A_581 = arith.constant 2176 : i32
    %add3A_582 = arith.addi %min3A_3, %add3A_581 : i32
    %dma_wait3A_583 = arith.constant 128 : i32
    %dma_wait3A_584 = tpu.memref_slice %arg4[%add3A_582, %dma_wait3A_583] : memref<100000x480xf32, #tpu.memory_space<hbm>> -> memref<128x352xf32, #tpu.memory_space<hbm>>
    %dma_wait3A_585 = arith.constant 128 : i32
    %dma_wait3A_586 = tpu.memref_slice %arg4[%add3A_582, %dma_wait3A_585] : memref<100000x480xf32, #tpu.memory_space<hbm>> -> memref<128x352xf32, #tpu.memory_space<hbm>>
    tpu.wait_dma2 semaphore(%arg11 : memref<!tpu.dma_semaphore, #tpu.memory_space<semaphore_mem>>) src(%arg7 : memref<128x352xf32, #tpu.memory_space<vmem>>) dst(%dma_wait3A_586 : memref<128x352xf32, #tpu.memory_space<hbm>>)
    %add3A_587 = arith.constant 2304 : i32
    %add3A_588 = arith.addi %min3A_3, %add3A_587 : i32
    %dma_wait3A_589 = arith.constant 128 : i32
    %dma_wait3A_590 = tpu.memref_slice %arg4[%add3A_588, %dma_wait3A_589] : memref<100000x480xf32, #tpu.memory_space<hbm>> -> memref<128x352xf32, #tpu.memory_space<hbm>>
    %dma_wait3A_591 = arith.constant 128 : i32
    %dma_wait3A_592 = tpu.memref_slice %arg4[%add3A_588, %dma_wait3A_591] : memref<100000x480xf32, #tpu.memory_space<hbm>> -> memref<128x352xf32, #tpu.memory_space<hbm>>
    tpu.wait_dma2 semaphore(%arg11 : memref<!tpu.dma_semaphore, #tpu.memory_space<semaphore_mem>>) src(%arg7 : memref<128x352xf32, #tpu.memory_space<vmem>>) dst(%dma_wait3A_592 : memref<128x352xf32, #tpu.memory_space<hbm>>)
    %add3A_593 = arith.constant 2432 : i32
    %add3A_594 = arith.addi %min3A_3, %add3A_593 : i32
    %dma_wait3A_595 = arith.constant 128 : i32
    %dma_wait3A_596 = tpu.memref_slice %arg4[%add3A_594, %dma_wait3A_595] : memref<100000x480xf32, #tpu.memory_space<hbm>> -> memref<128x352xf32, #tpu.memory_space<hbm>>
    %dma_wait3A_597 = arith.constant 128 : i32
    %dma_wait3A_598 = tpu.memref_slice %arg4[%add3A_594, %dma_wait3A_597] : memref<100000x480xf32, #tpu.memory_space<hbm>> -> memref<128x352xf32, #tpu.memory_space<hbm>>
    tpu.wait_dma2 semaphore(%arg11 : memref<!tpu.dma_semaphore, #tpu.memory_space<semaphore_mem>>) src(%arg7 : memref<128x352xf32, #tpu.memory_space<vmem>>) dst(%dma_wait3A_598 : memref<128x352xf32, #tpu.memory_space<hbm>>)
    %add3A_599 = arith.constant 2560 : i32
    %add3A_600 = arith.addi %min3A_3, %add3A_599 : i32
    %dma_wait3A_601 = arith.constant 128 : i32
    %dma_wait3A_602 = tpu.memref_slice %arg4[%add3A_600, %dma_wait3A_601] : memref<100000x480xf32, #tpu.memory_space<hbm>> -> memref<128x352xf32, #tpu.memory_space<hbm>>
    %dma_wait3A_603 = arith.constant 128 : i32
    %dma_wait3A_604 = tpu.memref_slice %arg4[%add3A_600, %dma_wait3A_603] : memref<100000x480xf32, #tpu.memory_space<hbm>> -> memref<128x352xf32, #tpu.memory_space<hbm>>
    tpu.wait_dma2 semaphore(%arg11 : memref<!tpu.dma_semaphore, #tpu.memory_space<semaphore_mem>>) src(%arg7 : memref<128x352xf32, #tpu.memory_space<vmem>>) dst(%dma_wait3A_604 : memref<128x352xf32, #tpu.memory_space<hbm>>)
    %add3A_605 = arith.constant 2688 : i32
    %add3A_606 = arith.addi %min3A_3, %add3A_605 : i32
    %dma_wait3A_607 = arith.constant 128 : i32
    %dma_wait3A_608 = tpu.memref_slice %arg4[%add3A_606, %dma_wait3A_607] : memref<100000x480xf32, #tpu.memory_space<hbm>> -> memref<128x352xf32, #tpu.memory_space<hbm>>
    %dma_wait3A_609 = arith.constant 128 : i32
    %dma_wait3A_610 = tpu.memref_slice %arg4[%add3A_606, %dma_wait3A_609] : memref<100000x480xf32, #tpu.memory_space<hbm>> -> memref<128x352xf32, #tpu.memory_space<hbm>>
    tpu.wait_dma2 semaphore(%arg11 : memref<!tpu.dma_semaphore, #tpu.memory_space<semaphore_mem>>) src(%arg7 : memref<128x352xf32, #tpu.memory_space<vmem>>) dst(%dma_wait3A_610 : memref<128x352xf32, #tpu.memory_space<hbm>>)
    %add3A_611 = arith.constant 2816 : i32
    %add3A_612 = arith.addi %min3A_3, %add3A_611 : i32
    %dma_wait3A_613 = arith.constant 128 : i32
    %dma_wait3A_614 = tpu.memref_slice %arg4[%add3A_612, %dma_wait3A_613] : memref<100000x480xf32, #tpu.memory_space<hbm>> -> memref<128x352xf32, #tpu.memory_space<hbm>>
    %dma_wait3A_615 = arith.constant 128 : i32
    %dma_wait3A_616 = tpu.memref_slice %arg4[%add3A_612, %dma_wait3A_615] : memref<100000x480xf32, #tpu.memory_space<hbm>> -> memref<128x352xf32, #tpu.memory_space<hbm>>
    tpu.wait_dma2 semaphore(%arg11 : memref<!tpu.dma_semaphore, #tpu.memory_space<semaphore_mem>>) src(%arg7 : memref<128x352xf32, #tpu.memory_space<vmem>>) dst(%dma_wait3A_616 : memref<128x352xf32, #tpu.memory_space<hbm>>)
    %add3A_617 = arith.constant 2944 : i32
    %add3A_618 = arith.addi %min3A_3, %add3A_617 : i32
    %dma_wait3A_619 = arith.constant 128 : i32
    %dma_wait3A_620 = tpu.memref_slice %arg4[%add3A_618, %dma_wait3A_619] : memref<100000x480xf32, #tpu.memory_space<hbm>> -> memref<128x352xf32, #tpu.memory_space<hbm>>
    %dma_wait3A_621 = arith.constant 128 : i32
    %dma_wait3A_622 = tpu.memref_slice %arg4[%add3A_618, %dma_wait3A_621] : memref<100000x480xf32, #tpu.memory_space<hbm>> -> memref<128x352xf32, #tpu.memory_space<hbm>>
    tpu.wait_dma2 semaphore(%arg11 : memref<!tpu.dma_semaphore, #tpu.memory_space<semaphore_mem>>) src(%arg7 : memref<128x352xf32, #tpu.memory_space<vmem>>) dst(%dma_wait3A_622 : memref<128x352xf32, #tpu.memory_space<hbm>>)
    %add3A_623 = arith.constant 3072 : i32
    %add3A_624 = arith.addi %min3A_3, %add3A_623 : i32
    %dma_wait3A_625 = arith.constant 128 : i32
    %dma_wait3A_626 = tpu.memref_slice %arg4[%add3A_624, %dma_wait3A_625] : memref<100000x480xf32, #tpu.memory_space<hbm>> -> memref<128x352xf32, #tpu.memory_space<hbm>>
    %dma_wait3A_627 = arith.constant 128 : i32
    %dma_wait3A_628 = tpu.memref_slice %arg4[%add3A_624, %dma_wait3A_627] : memref<100000x480xf32, #tpu.memory_space<hbm>> -> memref<128x352xf32, #tpu.memory_space<hbm>>
    tpu.wait_dma2 semaphore(%arg11 : memref<!tpu.dma_semaphore, #tpu.memory_space<semaphore_mem>>) src(%arg7 : memref<128x352xf32, #tpu.memory_space<vmem>>) dst(%dma_wait3A_628 : memref<128x352xf32, #tpu.memory_space<hbm>>)
    return
  }
}

module attributes {stable_mosaic.version = 14 : i64} {
  func.func @_t2_body(%arg0: memref<128x128xf32, #tpu.memory_space<vmem>>, %arg1: memref<128x128xf32, #tpu.memory_space<vmem>>, %arg2: memref<128x128xf32, #tpu.memory_space<vmem>>) attributes {dimension_semantics = [], scalar_prefetch = 0 : i64, scratch_operands = 0 : i64, tpu.core_type = #tpu.core_type<tc>} {
    %get3A = arith.constant 0 : index
    %get3A_0 = arith.constant 0 : index
    %get3A_1 = vector.load %arg0[%get3A, %get3A_0] : memref<128x128xf32, #tpu.memory_space<vmem>>, vector<128x128xf32>
    %get3A_2 = arith.constant 0 : index
    %get3A_3 = arith.constant 0 : index
    %get3A_4 = vector.load %arg1[%get3A_2, %get3A_3] : memref<128x128xf32, #tpu.memory_space<vmem>>, vector<128x128xf32>
    %dot_general3A = arith.constant dense<0.000000e+00> : vector<128x128xf32>
    %dot_general3A_5 = tpu.matmul %get3A_1, %get3A_4, %dot_general3A {dimension_numbers = #tpu.dot_dimension_numbers<[1], [0], [0], [1], [0, 0, 1, 1], [], []>, transpose_lhs_hint = false} : vector<128x128xf32>, vector<128x128xf32>, vector<128x128xf32> -> vector<128x128xf32>
    %mul3A = arith.constant 0.0883883461 : f32
    %mul3A_6 = vector.broadcast %mul3A : f32 to vector<128x128xf32>
    %mul3A_7 = arith.mulf %dot_general3A_5, %mul3A_6 : vector<128x128xf32>
    %swap3A = arith.constant 0 : index
    %swap3A_8 = arith.constant 0 : index
    %swap3A_9 = vector.load %arg2[%swap3A, %swap3A_8] : memref<128x128xf32, #tpu.memory_space<vmem>>, vector<128x128xf32>
    tpu.vector_store %arg2[%swap3A, %swap3A_8], %mul3A_7 {strides = array<i32>} : memref<128x128xf32, #tpu.memory_space<vmem>>, vector<128x128xf32>,
    return
  }
}

</mosaic_0001>

<sc_bundles>
// kernel: kernel.4.cloned.1.call-start
scs
__scs_entry_jumppad:
0x0: {  	(pc) =	sbr.rel $0x88, $3  }
0x1: {  	(tag) =	ssettag $0x0;
	lr =	simm.s32 $0x1  }
0x2: {  	[smem:$0x3F9E] =	sst lr;
	_ =	strace $0xD0000000  }
0x3: {  	_ = 	snop  }
0x4: {  	_ = 	snop  }
0x5: {  	_ = 	snop  }
0x6: {  	_ = 	snop  }
0x7: {  	_ = 	snop  }
__scs_overlays_trampoline_lowered:
0x8: {  	[smem:$0x3FAD] =	sst s0  }
0x9: {  	[smem:$0x3FAE] =	sst s1  }
0xa: {  	[smem:$0x3FAF] =	sst s2  }
0xb: {  	[smem:$0x3FB0] =	sst s3  }
0xc: {  	[smem:$0x3FB1] =	sst s4  }
0xd: {  	[smem:$0x3FB2] =	sst s5  }
0xe: {  	[smem:$0x3FB3] =	sst s6  }
0xf: {  	[smem:$0x3FB4] =	sst s7  }
0x10: {  	[smem:$0x3FB5] =	sst s8  }
0x11: {  	[smem:$0x3FB6] =	sst s9;
	s0 =	simm.s32 @!p0 $0x0  }
0x12: {  	s1 =	sld [smem:$0x3F9C];
	s0 =	simm.s32 @p0 $0x1  }
0x13: {  	[smem:$0x3FB7] =	sst s0;
	s0 =	simm.s32 @!p1 $0x0  }
0x14: {  	s2 =	sld [smem:$0x3F9B];
	s0 =	simm.s32 @p1 $0x1  }
0x15: {  	[smem:$0x3FB8] =	sst s0;
	s0 =	simm.s32 @!p2 $0x0  }
0x16: {  	s3 =	sld [smem:$0x3FDB];
	s0 =	simm.s32 @p2 $0x1  }
0x17: {  	s4 =	simm.s32 $0x1BF5;
	[smem:$0x3FBA] =	sst s0  }
0x18: {  	s0 =	sld [smem:$0x3F9D];
	_ =	swait.ge [sflag:s4], $0x0  }
0x19: {  	s7 =	sld [smem:$0x3F9E]  }
0x1a: {  	s8 =	sadd.s32 $0xFFFFE003, lr  }
0x1b: {  	s9 =	sadd.s32 $0xFFFFFEF7, lr;
	s5 =	simm.s32 $0xFFFFFFFF;
	p2 =	slt.u32 s8, $0xFFFFF086  }
0x1c: {  	p1 =	slt.u32 s9, $0xF7A;
	s5 =	simm.s32 @!p2 $0x0  }
0x1d: {  	s5 =	simm.s32 @p1 $0x1;
	p0 =	seq.s32 s7, s2  }
0x1e: {  	s7 =	smul.u32 @!p0 $0xF7A, s2;
	p2 =	seq.s32 @!p0 s5, $0x0  }
0x1f: {  	s9 =	smul.u32 $0xF7A, s1;
	s8 =	simm.s32 @!p0 $0x1BF5;
	p2 =	por !p2, p0  }
0x20: {  	[sflag:s8] =	ssyncset.s32 @!p0 $0xFFFFF086;
	s6 =	sadd.s32 @!p0 s3, s7;
	s7 =	simm.s32 @!p0 $0x108  }
0x21: {  	s3 =	sadd.s32 s3, s9;
	s6 =	sadd.s32 @!p0 $0x88, s6;
	s7 =	simm.s32 @p2 $0x1082  }
0x22: {  	[simem:s7], [sflag:s8] =	dma.local @!p0 [hbm:s6], $0xF7A  }
0x23: {  	s9 =	sor.u32 $0xD0000000, s2;
	s6 =	simm.s32 $0x108;
	_ =	swait.ge @!p0 [sflag:s8], $0x0  }
0x24: {  	s3 =	sadd.s32 $0x88, s3;
	s6 =	simm.s32 @!p1 $0x1082;
	[sflag:s4] =	ssyncset.s32 $0xFFFFF086  }
0x25: {  	[simem:s6], [sflag:s4] =	dma.local [hbm:s3], $0xF7A  }
0x26: {  	[smem:$0x3F9E] =	sst s1;
	(tag) =	ssettag s2;
	_ =	strace s9  }
0x27: {  	s1 =	sld [smem:$0x3FAE]  }
0x28: {  	s2 =	sld [smem:$0x3FAF]  }
0x29: {  	s4 =	sld [smem:$0x3FB1]  }
0x2a: {  	p0 =	seq.s32 s5, $0x0;
	s5 =	sld [smem:$0x3FB2]  }
0x2b: {  	s6 =	sld [smem:$0x3FB3]  }
0x2c: {  	s7 =	sld [smem:$0x3FB4]  }
0x2d: {  	s3 =	simm.s32 $0x108;
	s8 =	sld [smem:$0x3FB5]  }
0x2e: {  	s3 =	simm.s32 @!p0 $0x1082;
	s9 =	sld [smem:$0x3FB6]  }
0x2f: {  	lr =	sadd.s32 s0, s3;
	s0 =	sld [smem:$0x3FAD]  }
0x30: {  	s3 =	sld [smem:$0x3FB0]  }
0x31: {  	[smem:$0x3FB9] =	sst s10  }
0x32: {  	s10 =	sld [smem:$0x3FB7];
	_ =	sdelay $0x3  }
0x33: {  	p0 =	seq.s32 s10, $0x1;
	s10 =	sld [smem:$0x3FB9];
	_ =	sdelay $0x3  }
0x34: {  	[smem:$0x3FB9] =	sst s10  }
0x35: {  	s10 =	sld [smem:$0x3FB8];
	_ =	sdelay $0x3  }
0x36: {  	p1 =	seq.s32 s10, $0x1;
	s10 =	sld [smem:$0x3FB9];
	_ =	sdelay $0x3  }
0x37: {  	[smem:$0x3FB9] =	sst s10  }
0x38: {  	s10 =	sld [smem:$0x3FBA]  }
0x39: {  	_ = 	snop;
	(pc) =	sbr.ind lr, $3  }
0x3a: {  	_ = 	snop  }
0x3b: {  	_ = 	snop  }
0x3c: {  	p2 =	seq.s32 s10, $0x1;
	s10 =	sld [smem:$0x3FB9]  }
0x3d: {  	_ =	shalt  }
0x3e: {  	_ =	shalt  }
0x3f: {  	_ =	shalt  }
0x40: {  	_ =	shalt  }
0x41: {  	_ =	shalt  }
0x42: {  	_ =	shalt  }
0x43: {  	_ =	shalt  }
0x44: {  	_ =	shalt  }
0x45: {  	_ =	shalt  }
0x46: {  	_ =	shalt  }
0x47: {  	_ =	shalt  }
0x48: {  	_ =	shalt  }
0x49: {  	_ =	shalt  }
0x4a: {  	_ =	shalt  }
0x4b: {  	_ =	shalt  }
0x4c: {  	_ =	shalt  }
0x4d: {  	_ =	shalt  }
0x4e: {  	_ =	shalt  }
0x4f: {  	_ =	shalt  }
0x50: {  	_ =	shalt  }
0x51: {  	_ =	shalt  }
0x52: {  	_ =	shalt  }
0x53: {  	_ =	shalt  }
0x54: {  	_ =	shalt  }
0x55: {  	_ =	shalt  }
0x56: {  	_ =	shalt  }
0x57: {  	_ =	shalt  }
0x58: {  	_ =	shalt  }
0x59: {  	_ =	shalt  }
0x5a: {  	_ =	shalt  }
0x5b: {  	_ =	shalt  }
0x5c: {  	_ =	shalt  }
0x5d: {  	_ =	shalt  }
0x5e: {  	_ =	shalt  }
0x5f: {  	_ =	shalt  }
0x60: {  	_ =	shalt  }
0x61: {  	_ =	shalt  }
0x62: {  	_ =	shalt  }
0x63: {  	_ =	shalt  }
0x64: {  	_ =	shalt  }
0x65: {  	_ =	shalt  }
0x66: {  	_ =	shalt  }
0x67: {  	_ =	shalt  }
0x68: {  	_ =	shalt  }
0x69: {  	_ =	shalt  }
0x6a: {  	_ =	shalt  }
0x6b: {  	_ =	shalt  }
0x6c: {  	_ =	shalt  }
0x6d: {  	_ =	shalt  }
0x6e: {  	_ =	shalt  }
0x6f: {  	_ =	shalt  }
0x70: {  	_ =	shalt  }
0x71: {  	_ =	shalt  }
0x72: {  	_ =	shalt  }
0x73: {  	_ =	shalt  }
0x74: {  	_ =	shalt  }
0x75: {  	_ =	shalt  }
0x76: {  	_ =	shalt  }
0x77: {  	_ =	shalt  }
0x78: {  	_ =	shalt  }
0x79: {  	_ =	shalt  }
0x7a: {  	_ =	shalt  }
0x7b: {  	_ =	shalt  }
0x7c: {  	_ =	shalt  }
0x7d: {  	_ =	shalt  }
0x7e: {  	_ =	shalt  }
0x7f: {  	_ =	shalt  }
0x80: {  	_ =	shalt  }
0x81: {  	_ =	shalt  }
0x82: {  	_ =	shalt  }
0x83: {  	_ =	shalt  }
0x84: {  	_ =	shalt  }
0x85: {  	_ =	shalt  }
0x86: {  	_ =	shalt  }
0x87: {  	_ =	shalt  }
.Lfunc_end0:
.L_simem_size_0:
called_computation_lowered:
.L_overlay_start_0:
0x88: {  	s2 =	sld [smem:$0x3FD9]  }
0x89: {  	s3 =	sld [smem:$0x3FFE];
	_ =	sdelay $0x1  }
0x8a: {  	s1 =	srdreg.scid  }
0x8b: {  	s0 =	sand.u32 $0x1, s1  }
0x8c: {  	s17 =	sshll.u32 s0, $0xA;
	s2 =	sadd.s32 s3, s2  }
0x8d: {  	s2 =	sadd.s32 s2, s17  }
0x8e: {  	[smem:$0x3FC5] =	sst s2  }
0x8f: {  	_ = 	snop  }
0x90: {  	s2 =	sld [smem:$0x3FC9]  }
0x91: {  	s18 =	sld [smem:$0x3FD0];
	(tm) =	ssettm $0x1  }
0x92: {  	s4 =	sld [smem:$0x3FFB];
	_ =	sdelay $0x3  }
0x93: {  	_ =	strace s4  }
0x94: {  	s4 =	sld [smem:$0x3FFC];
	_ =	sdelay $0x3  }
0x95: {  	_ =	strace s4  }
0x96: {  	s4 =	sld [smem:$0x3FFD];
	_ =	sdelay $0x3  }
0x97: {  	_ =	strace s4  }
0x98: {  	_ =	strace $0x8FFFFFFF  }
0x99: {  	s19 =	sld [smem:$0x3FDB];
	_ =	sdelay $0x1  }
0x9a: {  	s5 =	simm.s32 $_scs_section_size  }
0x9b: {  	s6 =	simm.s32 $_size__tile_overlayer_lowered;
	s7 =	simm.s32 $_tile_overlayer_lowered  }
0x9c: {  	s22 =	simm.s32 $0x1BFF;
	s21 =	sshll.u32 s7, $0x1;
	s4 =	sadd.s32 s5, s19  }
0x9d: {  	s8 =	simm.s32 $0x0;
	s20 =	sshll.u32 s6, $0x1;
	s6 =	sadd.s32 s21, s4  }
0x9e: {  	[timem:s8], [sflag:s22] =	dma.local [hbm:s6], s20  }
0x9f: {  	_ =	swait.ge [sflag:s22], s20  }
0xa0: {  	s5 =	ssub.s32 $0x0, s20;
	[sflag:s22] =	ssyncset.done $0x0  }
0xa1: {  	[sflag:s22] =	ssyncadd.s32 s5;
	_ =	sdelay $0x1  }
0xa2: {  	s23 =	simm.s32 $0x1B8B  }
0xa3: {  	_ =	swait.ge [sflag:s23], $0x1  }
0xa4: {  	[sflag:s23] =	ssyncset.done $0x0  }
0xa5: {  	s25 =	simm.s32 $0x1B8E;
	s24 =	sld [smem:$0x3FFE];
	[sflag:s23] =	ssyncadd.s32 $0xFFFFFFFF  }
0xa6: {  	s26 =	simm.s32 $execute0_lowered;
	[smem:$0x3FD2] =	sst s25  }
0xa7: {  	s6 =	sshll.u32 s26, $0x1;
	_ =	strace $0x80000046;
	[dreg:$0x1] =	wrdreg $0xFFFFFFFF  }
0xa8: {  	s28 =	simm.s32 $_size_execute0_lowered;
	s4 =	sadd.s32 s4, s6;
	[dreg:$0x0] =	wrdreg $0x0  }
0xa9: {  	s6 =	sshll.u32 s28, $0x1;
	[dreg:$0x2] =	wrdreg s4  }
0xaa: {  	[dreg:$0x3] =	wrdreg s6  }
0xab: {  	[dreg:$0x4] =	wrdreg $0xC0  }
0xac: {  	_ =	task [dreg:s8], $0x5FFFF  }
0xad: {  	[dreg:$0x1] =	wrdreg $0xFFFFFFFF  }
0xae: {  	[dreg:$0x0] =	wrdreg $0x60  }
0xaf: {  	[dreg:$0x2] =	wrdreg s18  }
0xb0: {  	[dreg:$0x3] =	wrdreg s2  }
0xb1: {  	[dreg:$0x4] =	wrdreg s24  }
0xb2: {  	[dreg:$0x5] =	wrdreg $0x1CC800  }
0xb3: {  	[dreg:$0x6] =	wrdreg $0x9  }
0xb4: {  	_ =	task.clear_ibuf [dreg:s8], $0x7FFFF;
	_ =	strace $0x90000046  }
0xb5: {  	s29 =	simm.s32 $0x9;
	_ =	strace $0x80000048  }
0xb6: {  	_ =	swait.ge [sflag:s29], $0x1  }
0xb7: {  	[sflag:s29] =	ssyncadd.s32 $0xFFFFFFFF  }
0xb8: {  	_ =	strace $0x90000048  }
0xb9: {  	_ =	sfence  }
0xba: {  	s30 =	sld [smem:$0x0];
	_ =	sdelay $0x2  }
0xbb: {  	s31 =	sshll.u32 s1, $0xD;
	s1 =	sshrl.u32 s1, $0x2  }
0xbc: {  	s3 =	sand.u32 $0x4000, s31;
	s1 =	sadd.s32 s1, s30  }
0xbd: {  	s0 =	sor.u32 s3, s0;
	s1 =	sshll.u32 s1, $0x11  }
0xbe: {  	s0 =	sor.u32 s1, s0  }
0xbf: {  	s0 =	sadd.s32 $0x8F2B, s0  }
0xc0: {  	[sflag:s0] =	ssyncadd.remote.s32 $0x1  }
0xc1: {  	_ =	sfence.sel $0xFFFF  }
0xc2: {  	[dreg:$0x0] =	wrdreg $0xFFFFFFFF;
	(pc) =	sbr.abs _section_cstart, $3  }
0xc3: {  	[dreg:$0x1] =	wrdreg $0xFFFFFFFF  }
0xc4: {  	_ =	task.clear_ibuf [dreg:s8], $0x2FFFF;
	_ =	strace $0x9FFFFFFF  }
0xc5: {  	(tm) =	ssettm $0x7FFFFFFF  }
tec
execute0_lowered:
.L_overlay_start_1:
0x0: {  	(tag) =	ssettag $0x1  }
0x1: {  	s0 =	rddreg [dreg:$0x1]  }
0x2: {  	s3 =	srdreg.scid;
	s4 =	stileid.u32  }
0x3: {  	s1 =	rddreg [dreg:$0x2];
	s3 =	sand.u32 $0x1, s3;
	s5 =	sshll.u32 s4, $0x1  }
0x4: {  	s2 =	rddreg [dreg:$0x3];
	s5 =	sor.u32 s3, s5  }
0x5: {  	s6 =	simm.s32 $0x0;
	s19 =	ssub.s32 $0x2, s3;
	s5 =	smul.u32 $0xC80, s5  }
0x6: {  	[smem:$0x7FF] =	sst s6;
	s1 =	sadd.s32 $0x800, s1;
	s7 =	sshrl.u32 s19, $0x1  }
0x7: {  	_ =	strace $0x80000047;
	s6 =	ssub.s32 s19, s7;
	s5 =	smin.u32 s5, $0x17A20  }
0x8: {  	s18 =	smax.u32 s6, $0x1;
	s8 =	sshrl.u32 s5, $0x3;
	s5 =	sshll.u32 s5, $0x6  }
0x9: {  	[dreg:$0x18] =	wrdreg s18;
	s0 =	sadd.s32 s0, s8;
	s5 =	sadd.s32 s1, s5  }
0xa: {  	[dreg:$0x5] =	wrdreg s0;
	s20 =	sadd.s32 $0x80, s5  }
0xb: {  	s21 =	sadd.s32 $0x2080, s5;
	[dreg:$0x6] =	wrdreg s20  }
0xc: {  	s22 =	sadd.s32 $0x4080, s5;
	[dreg:$0x7] =	wrdreg s21  }
0xd: {  	s23 =	sadd.s32 $0x6080, s5;
	[dreg:$0x8] =	wrdreg s22  }
0xe: {  	s24 =	sadd.s32 $0x8080, s5;
	[dreg:$0x9] =	wrdreg s23  }
0xf: {  	s26 =	sadd.s32 $0xA080, s5;
	[dreg:$0xa] =	wrdreg s24  }
0x10: {  	s30 =	sadd.s32 $0xC080, s5;
	[dreg:$0xb] =	wrdreg s26  }
0x11: {  	s31 =	sadd.s32 $0xE080, s5;
	[dreg:$0xc] =	wrdreg s30  }
0x12: {  	s8 =	sadd.s32 $0x10080, s5;
	[dreg:$0xd] =	wrdreg s31  }
0x13: {  	s9 =	sadd.s32 $0x12080, s5;
	[dreg:$0xe] =	wrdreg s8  }
0x14: {  	s10 =	sadd.s32 $0x14080, s5;
	[dreg:$0xf] =	wrdreg s9  }
0x15: {  	s28 =	simm.s32 $0x9;
	s11 =	sadd.s32 $0x16080, s5;
	[dreg:$0x10] =	wrdreg s10  }
0x16: {  	s29 =	simm.s32 $0x0;
	s12 =	sadd.s32 $0x18080, s5;
	[dreg:$0x11] =	wrdreg s11  }
0x17: {  	s25 =	smul.u32 $0x1900, s4;
	s13 =	sadd.s32 $0x1A080, s5;
	[dreg:$0x12] =	wrdreg s12  }
0x18: {  	p0 =	sne.s32 s4, $0x0;
	s14 =	sadd.s32 $0x1C080, s5;
	[dreg:$0x13] =	wrdreg s13  }
0x19: {  	s3 =	smul.u32 $0xC80, s3;
	s15 =	sadd.s32 $0x1E080, s5;
	[dreg:$0x14] =	wrdreg s14  }
0x1a: {  	s18 =	simm.s32 $0x400;
	s16 =	sadd.s32 $0x20080, s5;
	[dreg:$0x15] =	wrdreg s15  }
0x1b: {  	s0 =	sadd.s32 s3, s25;
	s17 =	sadd.s32 $0x22080, s5;
	[dreg:$0x16] =	wrdreg s16  }
0x1c: {  	s19 =	sadd.s32 $0x24080, s5;
	s6 =	sadd.s32 $0x2E000, s5;
	[dreg:$0x17] =	wrdreg s17  }
0x1d: {  	s7 =	sadd.s32 $0x30000, s5;
	s0 =	smin.u32 s0, $0x17A20;
	[dreg:$0x19] =	wrdreg s19  }
0x1e: {  	s20 =	sadd.s32 $0x26080, s5;
	s21 =	sadd.s32 $0x28080, s5;
	s22 =	sadd.s32 $0x2A080, s5  }
0x1f: {  	s23 =	sadd.s32 $0x2C080, s5;
	s24 =	sadd.s32 $0x2E080, s5;
	s26 =	sadd.s32 $0x30080, s5  }
0x20: {  	s30 =	sadd.s32 $0x2000, s5;
	s31 =	sadd.s32 $0x4000, s5;
	[dreg:$0x1a] =	wrdreg s20  }
0x21: {  	s8 =	simm.s32 $0xC00;
	s9 =	simm.s32 $0x1000;
	[dreg:$0x1b] =	wrdreg s21  }
0x22: {  	s10 =	simm.s32 $0x10C80;
	s11 =	simm.s32 $0xA;
	[dreg:$0x1c] =	wrdreg s22  }
0x23: {  	s12 =	simm.s32 $0x80;
	s13 =	simm.s32 $0xC80;
	[dreg:$0x1d] =	wrdreg s23  }
0x24: {  	s14 =	simm.s32 $0x4C80;
	s15 =	simm.s32 $0x8C80;
	[dreg:$0x1e] =	wrdreg s24  }
0x25: {  	s16 =	simm.s32 $0xCC80;
	s17 =	simm.s32 $0x1;
	[dreg:$0x1f] =	wrdreg s26  }
0x26: {  	s19 =	simm.s32 $0x2;
	s0 =	sshll.u32 s0, $0x6;
	[smem:$0x7FC] =	sst s30  }
0x27: {  	[smem:$0x7FD] =	sst s31;
	s20 =	simm.s32 $0x3;
	s21 =	simm.s32 $0x5  }
0x28: {  	s22 =	simm.s32 $0x4;
	s23 =	simm.s32 $0x6;
	s0 =	sadd.s32 s0, s1  }
0x29: {  	v0 =	vimm.f32 $0.0e+00;
	s24 =	simm.s32 $0x7;
	s26 =	simm.s32 $0x8;
	s25 =	sadd.s32 $0x6000, s0  }
.LBB2_1:
0x2a: {  	s0 =	simm.s32 @!p0 $0x0;
	s1 =	simm.s32 @!p0 $0xC80;
	s3 =	rddreg [dreg:$0x0]  }
0x2b: {  	[tilespmem:s1], [sflag:$0xB] =	stream.linear.gather @!p0 [hbm4b:s3+s0], $0x4000, $0x38;
	[tilespmem:$0x1D080] =	vst v63  }
0x2c: {  	s0 =	simm.s32 @!p0 $0xB  }
0x2d: {  	_ =	swait.ge @!p0 [sflag:s0], $0x4000  }
0x2e: {  	[sflag:s0] =	ssyncset.done @!p0 $0x0  }
0x2f: {  	[sflag:s0] =	ssyncadd.s32 @!p0 $0xFFFFC000  }
0x30: {  	[spmem:s2] =	stream.linear.scatter @!p0 [tilespmem:s1], [sflag:$0xB], $0x4000, $0x38;
	[tilespmem:$0x1D080] =	vst v63  }
0x31: {  	_ =	swait.ge @!p0 [sflag:s0], $0x4000  }
0x32: {  	s4 =	simm.s32 $0x0;
	[sflag:s0] =	ssyncset.done @!p0 $0x0  }
0x33: {  	s30 =	simm.s32 $0x0;
	s31 =	rddreg [dreg:$0x5];
	[sflag:s0] =	ssyncadd.s32 @!p0 $0xFFFFC000  }
0x34: {  	[tilespmem:s4], [sflag:$0xA] =	stream.linear.gather [hbm4b:s31+s4], $0xC80, $0x38;
	[tilespmem:$0x1D080] =	vst v63  }
.LBB2_2:
0x35: {  	s0 =	sshrl.u32 s30, $0x3  }
0x36: {  	s0 =	smul.u32 $0x3000, s0  }
0x37: {  	s1 =	sshll.u32 s30, $0x7  }
0x38: {  	s1 =	sand.u32 $0x380, s1;
	s0 =	sshra.s32 s0, $0x2  }
0x39: {  	s31 =	simm.s32 $0x0;
	s0 =	sor.u32 s1, s0  }
0x3a: {  	s4 =	sand.u32 $0xC00, s31;
	s1 =	sadd.s32 $0x10C80, s0  }
0x3b: {  	s3 =	sand.u32 $0x70, s31;
	s4 =	sadd.s32 s4, s1  }
0x3c: {  	s0 =	simm.s32 $0x10;
	s3 =	sadd.s32 s3, s4  }
.LBB2_3:
0x3d: {  	p1 =	sne.s32 s0, $0x150  }
0x3e: {  	[tilespmem:s3+$0x0] =	vst v0;
	s31 =	sadd.s32 $0x80, s31;
	s3 =	smov.u32 s0;
	s0 =	sadd.s32 $0x10, s0  }
.Ltmp0:
0x3f: {  	(pc) =	sbr.rel @p1 .LBB2_3-.Ltmp0, $4  }
0x40: {  	_ = 	snop  }
0x41: {  	s4 =	sand.u32 $0xC00, s31  }
0x42: {  	s3 =	sand.u32 $0x70, s3;
	s4 =	sadd.s32 s4, s1  }
0x43: {  	s3 =	sadd.s32 s3, s4  }
0x44: {  	s30 =	sadd.s32 $0x1, s30  }
0x45: {  	p1 =	sne.s32 s30, $0x80  }
.Ltmp1:
0x46: {  	_ = 	snop;
	(pc) =	sbr.rel @p1 .LBB2_2-.Ltmp1, $2  }
0x47: {  	_ =	sdelay $0x2  }
0x48: {  	[tilespmem:s3+$0x0] =	vst v0  }
0x49: {  	s0 =	rddreg [dreg:$0x6]  }
0x4a: {  	[hbm4b:s0+s8] =	stream.strided.scatter [tilespmem:s10], [sflag:$0x9], $0xC000, s9, s8, $0x38;
	[tilespmem:$0x1D080] =	vst v63  }
0x4b: {  	s3 =	rddreg [dreg:$0x7]  }
0x4c: {  	[hbm4b:s3+s8] =	stream.strided.scatter [tilespmem:s10], [sflag:$0x9], $0xC000, s9, s8, $0x38;
	[tilespmem:$0x1D080] =	vst v63  }
0x4d: {  	s4 =	rddreg [dreg:$0x8]  }
0x4e: {  	[hbm4b:s4+s8] =	stream.strided.scatter [tilespmem:s10], [sflag:$0x9], $0xC000, s9, s8, $0x38;
	[tilespmem:$0x1D080] =	vst v63  }
0x4f: {  	s1 =	rddreg [dreg:$0x9]  }
0x50: {  	[hbm4b:s1+s8] =	stream.strided.scatter [tilespmem:s10], [sflag:$0x9], $0xC000, s9, s8, $0x38;
	[tilespmem:$0x1D080] =	vst v63  }
0x51: {  	s3 =	rddreg [dreg:$0xa]  }
0x52: {  	[hbm4b:s3+s8] =	stream.strided.scatter [tilespmem:s10], [sflag:$0x9], $0xC000, s9, s8, $0x38;
	[tilespmem:$0x1D080] =	vst v63  }
0x53: {  	s4 =	rddreg [dreg:$0xb]  }
0x54: {  	[hbm4b:s4+s8] =	stream.strided.scatter [tilespmem:s10], [sflag:$0x9], $0xC000, s9, s8, $0x38;
	[tilespmem:$0x1D080] =	vst v63  }
0x55: {  	s1 =	rddreg [dreg:$0xc]  }
0x56: {  	[hbm4b:s1+s8] =	stream.strided.scatter [tilespmem:s10], [sflag:$0x9], $0xC000, s9, s8, $0x38;
	[tilespmem:$0x1D080] =	vst v63  }
0x57: {  	s3 =	rddreg [dreg:$0xd]  }
0x58: {  	[hbm4b:s3+s8] =	stream.strided.scatter [tilespmem:s10], [sflag:$0x9], $0xC000, s9, s8, $0x38;
	[tilespmem:$0x1D080] =	vst v63  }
0x59: {  	s4 =	rddreg [dreg:$0xe]  }
0x5a: {  	[hbm4b:s4+s8] =	stream.strided.scatter [tilespmem:s10], [sflag:$0x9], $0xC000, s9, s8, $0x38;
	[tilespmem:$0x1D080] =	vst v63  }
0x5b: {  	s1 =	rddreg [dreg:$0xf]  }
0x5c: {  	[hbm4b:s1+s8] =	stream.strided.scatter [tilespmem:s10], [sflag:$0x9], $0xC000, s9, s8, $0x38;
	[tilespmem:$0x1D080] =	vst v63  }
0x5d: {  	s3 =	rddreg [dreg:$0x10]  }
0x5e: {  	[hbm4b:s3+s8] =	stream.strided.scatter [tilespmem:s10], [sflag:$0x9], $0xC000, s9, s8, $0x38;
	[tilespmem:$0x1D080] =	vst v63  }
0x5f: {  	s4 =	rddreg [dreg:$0x11]  }
0x60: {  	[hbm4b:s4+s8] =	stream.strided.scatter [tilespmem:s10], [sflag:$0x9], $0xC000, s9, s8, $0x38;
	[tilespmem:$0x1D080] =	vst v63  }
0x61: {  	s1 =	rddreg [dreg:$0x12]  }
0x62: {  	[hbm4b:s1+s8] =	stream.strided.scatter [tilespmem:s10], [sflag:$0x9], $0xC000, s9, s8, $0x38;
	[tilespmem:$0x1D080] =	vst v63  }
0x63: {  	s3 =	rddreg [dreg:$0x13]  }
0x64: {  	[hbm4b:s3+s8] =	stream.strided.scatter [tilespmem:s10], [sflag:$0x9], $0xC000, s9, s8, $0x38;
	[tilespmem:$0x1D080] =	vst v63  }
0x65: {  	s4 =	rddreg [dreg:$0x14]  }
0x66: {  	[hbm4b:s4+s8] =	stream.strided.scatter [tilespmem:s10], [sflag:$0x9], $0xC000, s9, s8, $0x38;
	[tilespmem:$0x1D080] =	vst v63  }
0x67: {  	s1 =	rddreg [dreg:$0x15]  }
0x68: {  	[hbm4b:s1+s8] =	stream.strided.scatter [tilespmem:s10], [sflag:$0x9], $0xC000, s9, s8, $0x38;
	[tilespmem:$0x1D080] =	vst v63  }
0x69: {  	s3 =	rddreg [dreg:$0x16]  }
0x6a: {  	[hbm4b:s3+s8] =	stream.strided.scatter [tilespmem:s10], [sflag:$0x9], $0xC000, s9, s8, $0x38;
	[tilespmem:$0x1D080] =	vst v63  }
0x6b: {  	s4 =	rddreg [dreg:$0x17]  }
0x6c: {  	[hbm4b:s4+s8] =	stream.strided.scatter [tilespmem:s10], [sflag:$0x9], $0xC000, s9, s8, $0x38;
	[tilespmem:$0x1D080] =	vst v63  }
0x6d: {  	s1 =	rddreg [dreg:$0x19]  }
0x6e: {  	[hbm4b:s1+s8] =	stream.strided.scatter [tilespmem:s10], [sflag:$0x9], $0xC000, s9, s8, $0x38;
	[tilespmem:$0x1D080] =	vst v63  }
0x6f: {  	s3 =	rddreg [dreg:$0x1a]  }
0x70: {  	[hbm4b:s3+s8] =	stream.strided.scatter [tilespmem:s10], [sflag:$0x9], $0xC000, s9, s8, $0x38;
	[tilespmem:$0x1D080] =	vst v63  }
0x71: {  	s4 =	rddreg [dreg:$0x1b]  }
0x72: {  	[hbm4b:s4+s8] =	stream.strided.scatter [tilespmem:s10], [sflag:$0x9], $0xC000, s9, s8, $0x38;
	[tilespmem:$0x1D080] =	vst v63  }
0x73: {  	s1 =	rddreg [dreg:$0x1c]  }
0x74: {  	[hbm4b:s1+s8] =	stream.strided.scatter [tilespmem:s10], [sflag:$0x9], $0xC000, s9, s8, $0x38;
	[tilespmem:$0x1D080] =	vst v63  }
0x75: {  	s3 =	rddreg [dreg:$0x1d]  }
0x76: {  	[hbm4b:s3+s8] =	stream.strided.scatter [tilespmem:s10], [sflag:$0x9], $0xC000, s9, s8, $0x38;
	[tilespmem:$0x1D080] =	vst v63  }
0x77: {  	s4 =	rddreg [dreg:$0x1e]  }
0x78: {  	[hbm4b:s4+s8] =	stream.strided.scatter [tilespmem:s10], [sflag:$0x9], $0xC000, s9, s8, $0x38;
	[tilespmem:$0x1D080] =	vst v63  }
0x79: {  	s1 =	rddreg [dreg:$0x1f]  }
0x7a: {  	[hbm4b:s1+s8] =	stream.strided.scatter [tilespmem:s10], [sflag:$0x9], $0xC000, s9, s8, $0x38;
	[tilespmem:$0x1D080] =	vst v63  }
0x7b: {  	_ =	swait.ge [sflag:s11], $0xC80  }
0x7c: {  	[sflag:s11] =	ssyncset.done $0x0  }
0x7d: {  	[sflag:s11] =	ssyncadd.s32 $0xFFFFF380  }
0x7e: {  	s3 =	simm.s32 $0x0;
	[bflag:$0x0] =	sbarrier.arrive $0xFFFF  }
0x7f: {  	[tilespmem:s13], [sflag:$0x1] =	stream.indirect.gather [spmem:s2], $0x80, s3, s12, $0xb8;
	[tilespmem:$0x1D080] =	vst v63  }
0x80: {  	_ = 	snop  }
0x81: {  	[tilespmem:s14], [sflag:$0x2] =	stream.indirect.gather [spmem:s2], $0x80, s12, s12, $0xb8;
	[tilespmem:$0x1D080] =	vst v63  }
0x82: {  	s4 =	simm.s32 $0x100  }
0x83: {  	[tilespmem:s15], [sflag:$0x3] =	stream.indirect.gather [spmem:s2], $0x80, s4, s12, $0xb8;
	[tilespmem:$0x1D080] =	vst v63  }
0x84: {  	s1 =	simm.s32 $0x180  }
0x85: {  	[tilespmem:s16], [sflag:$0x4] =	stream.indirect.gather [spmem:s2], $0x80, s1, s12, $0xb8;
	[tilespmem:$0x1D080] =	vst v63  }
0x86: {  	_ =	swait.ge [sflag:s17], $0x4000  }
0x87: {  	[sflag:s17] =	ssyncset.done $0x0  }
0x88: {  	[sflag:s17] =	ssyncadd.s32 $0xFFFFC000  }
0x89: {  	[hbm4b:s5+s18] =	stream.strided.scatter [tilespmem:s13], [sflag:$0x5], $0x4000, s9, s18, $0x38;
	[tilespmem:$0x1D080] =	vst v63  }
0x8a: {  	_ =	swait.ge [sflag:s19], $0x4000  }
0x8b: {  	s3 =	sld [smem:$0x7FC]  }
0x8c: {  	[sflag:s19] =	ssyncset.done $0x0  }
0x8d: {  	[sflag:s19] =	ssyncadd.s32 $0xFFFFC000  }
0x8e: {  	[hbm4b:s3+s18] =	stream.strided.scatter [tilespmem:s14], [sflag:$0x6], $0x4000, s9, s18, $0x38;
	[tilespmem:$0x1D080] =	vst v63  }
0x8f: {  	_ =	swait.ge [sflag:s20], $0x4000  }
0x90: {  	s4 =	sld [smem:$0x7FD]  }
0x91: {  	[sflag:s20] =	ssyncset.done $0x0  }
0x92: {  	[sflag:s20] =	ssyncadd.s32 $0xFFFFC000  }
0x93: {  	[hbm4b:s4+s18] =	stream.strided.scatter [tilespmem:s15], [sflag:$0x7], $0x4000, s9, s18, $0x38;
	[tilespmem:$0x1D080] =	vst v63  }
0x94: {  	_ =	swait.ge [sflag:s21], $0x4000  }
0x95: {  	[sflag:s21] =	ssyncset.done $0x0  }
0x96: {  	s1 =	simm.s32 $0x200;
	[sflag:s21] =	ssyncadd.s32 $0xFFFFC000  }
0x97: {  	[tilespmem:s13], [sflag:$0x1] =	stream.indirect.gather [spmem:s2], $0x80, s1, s12, $0xb8;
	[tilespmem:$0x1D080] =	vst v63  }
0x98: {  	_ =	swait.ge [sflag:s22], $0x4000  }
0x99: {  	[sflag:s22] =	ssyncset.done $0x0  }
0x9a: {  	[sflag:s22] =	ssyncadd.s32 $0xFFFFC000  }
0x9b: {  	[hbm4b:s25+s18] =	stream.strided.scatter [tilespmem:s16], [sflag:$0x8], $0x4000, s9, s18, $0x38;
	[tilespmem:$0x1D080] =	vst v63  }
0x9c: {  	_ =	swait.ge [sflag:s23], $0x4000  }
0x9d: {  	[sflag:s23] =	ssyncset.done $0x0  }
0x9e: {  	s3 =	simm.s32 $0x280;
	[sflag:s23] =	ssyncadd.s32 $0xFFFFC000  }
0x9f: {  	[tilespmem:s14], [sflag:$0x2] =	stream.indirect.gather [spmem:s2], $0x80, s3, s12, $0xb8;
	[tilespmem:$0x1D080] =	vst v63  }
0xa0: {  	_ =	swait.ge [sflag:s17], $0x4000  }
0xa1: {  	[sflag:s17] =	ssyncset.done $0x0  }
0xa2: {  	s4 =	sadd.s32 $0x2000, s25;
	[sflag:s17] =	ssyncadd.s32 $0xFFFFC000  }
0xa3: {  	[hbm4b:s4+s18] =	stream.strided.scatter [tilespmem:s13], [sflag:$0x5], $0x4000, s9, s18, $0x38;
	[tilespmem:$0x1D080] =	vst v63  }
0xa4: {  	_ =	swait.ge [sflag:s24], $0x4000  }
0xa5: {  	[sflag:s24] =	ssyncset.done $0x0  }
0xa6: {  	s1 =	simm.s32 $0x300;
	[sflag:s24] =	ssyncadd.s32 $0xFFFFC000  }
0xa7: {  	[tilespmem:s15], [sflag:$0x3] =	stream.indirect.gather [spmem:s2], $0x80, s1, s12, $0xb8;
	[tilespmem:$0x1D080] =	vst v63  }
0xa8: {  	_ =	swait.ge [sflag:s19], $0x4000  }
0xa9: {  	[sflag:s19] =	ssyncset.done $0x0  }
0xaa: {  	s3 =	sadd.s32 $0x4000, s25;
	[sflag:s19] =	ssyncadd.s32 $0xFFFFC000  }
0xab: {  	[hbm4b:s3+s18] =	stream.strided.scatter [tilespmem:s14], [sflag:$0x6], $0x4000, s9, s18, $0x38;
	[tilespmem:$0x1D080] =	vst v63  }
0xac: {  	_ =	swait.ge [sflag:s26], $0x4000  }
0xad: {  	[sflag:s26] =	ssyncset.done $0x0  }
0xae: {  	s4 =	simm.s32 $0x380;
	[sflag:s26] =	ssyncadd.s32 $0xFFFFC000  }
0xaf: {  	[tilespmem:s16], [sflag:$0x4] =	stream.indirect.gather [spmem:s2], $0x80, s4, s12, $0xb8;
	[tilespmem:$0x1D080] =	vst v63  }
0xb0: {  	_ =	swait.ge [sflag:s20], $0x4000  }
0xb1: {  	s30 =	simm.s32 $0x800;
	[sflag:s20] =	ssyncset.done $0x0  }
0xb2: {  	s31 =	sadd.s32 $0x8000, s25;
	s0 =	sadd.s32 $0x6000, s25;
	[sflag:s20] =	ssyncadd.s32 $0xFFFFC000  }
.LBB2_6:
0xb3: {  	[hbm4b:s0+s18] =	stream.strided.scatter [tilespmem:s15], [sflag:$0x7], $0x4000, s9, s18, $0x38;
	[tilespmem:$0x1D080] =	vst v63  }
0xb4: {  	s0 =	smov.u32 s30  }
0xb5: {  	p1 =	sne.s32 s30, $0x2000;
	s30 =	sadd.s32 $0x800, s30;
	_ =	swait.ge [sflag:s21], $0x4000  }
0xb6: {  	s0 =	sshra.s32 s0, $0x2;
	[sflag:s21] =	ssyncset.done $0x0  }
0xb7: {  	s1 =	sadd.s32 $0x200, s0;
	[sflag:s21] =	ssyncadd.s32 $0xFFFFC000  }
0xb8: {  	[tilespmem:s13], [sflag:$0x1] =	stream.indirect.gather [spmem:s2], $0x80, s1, s12, $0xb8;
	[tilespmem:$0x1D080] =	vst v63  }
0xb9: {  	_ =	swait.ge [sflag:s22], $0x4000  }
0xba: {  	[sflag:s22] =	ssyncset.done $0x0  }
0xbb: {  	[sflag:s22] =	ssyncadd.s32 $0xFFFFC000  }
0xbc: {  	[hbm4b:s31+s18] =	stream.strided.scatter [tilespmem:s16], [sflag:$0x8], $0x4000, s9, s18, $0x38;
	[tilespmem:$0x1D080] =	vst v63  }
0xbd: {  	_ =	swait.ge [sflag:s23], $0x4000  }
0xbe: {  	[sflag:s23] =	ssyncset.done $0x0  }
0xbf: {  	s1 =	sadd.s32 $0x280, s0;
	[sflag:s23] =	ssyncadd.s32 $0xFFFFC000  }
0xc0: {  	[tilespmem:s14], [sflag:$0x2] =	stream.indirect.gather [spmem:s2], $0x80, s1, s12, $0xb8;
	[tilespmem:$0x1D080] =	vst v63  }
0xc1: {  	_ =	swait.ge [sflag:s17], $0x4000  }
0xc2: {  	[sflag:s17] =	ssyncset.done $0x0  }
0xc3: {  	s1 =	sadd.s32 $0x2000, s31;
	[sflag:s17] =	ssyncadd.s32 $0xFFFFC000  }
0xc4: {  	[hbm4b:s1+s18] =	stream.strided.scatter [tilespmem:s13], [sflag:$0x5], $0x4000, s9, s18, $0x38;
	[tilespmem:$0x1D080] =	vst v63  }
0xc5: {  	_ =	swait.ge [sflag:s24], $0x4000  }
0xc6: {  	[sflag:s24] =	ssyncset.done $0x0  }
0xc7: {  	s1 =	sadd.s32 $0x300, s0;
	[sflag:s24] =	ssyncadd.s32 $0xFFFFC000  }
0xc8: {  	[tilespmem:s15], [sflag:$0x3] =	stream.indirect.gather [spmem:s2], $0x80, s1, s12, $0xb8;
	[tilespmem:$0x1D080] =	vst v63  }
0xc9: {  	_ =	swait.ge [sflag:s19], $0x4000  }
0xca: {  	[sflag:s19] =	ssyncset.done $0x0  }
0xcb: {  	s1 =	sadd.s32 $0x4000, s31;
	[sflag:s19] =	ssyncadd.s32 $0xFFFFC000  }
0xcc: {  	[hbm4b:s1+s18] =	stream.strided.scatter [tilespmem:s14], [sflag:$0x6], $0x4000, s9, s18, $0x38;
	[tilespmem:$0x1D080] =	vst v63  }
0xcd: {  	_ =	swait.ge [sflag:s26], $0x4000  }
0xce: {  	[sflag:s26] =	ssyncset.done $0x0  }
.Ltmp2:
0xcf: {  	s0 =	sadd.s32 $0x380, s0;
	[sflag:s26] =	ssyncadd.s32 $0xFFFFC000;
	(pc) =	sbr.rel @p1 .LBB2_6-.Ltmp2, $4  }
0xd0: {  	[tilespmem:s16], [sflag:$0x4] =	stream.indirect.gather [spmem:s2], $0x80, s0, s12, $0xb8;
	[tilespmem:$0x1D080] =	vst v63  }
0xd1: {  	_ =	swait.ge [sflag:s20], $0x4000  }
0xd2: {  	[sflag:s20] =	ssyncset.done $0x0  }
0xd3: {  	s0 =	sadd.s32 $0x6000, s31;
	s31 =	sadd.s32 $0x8000, s31;
	[sflag:s20] =	ssyncadd.s32 $0xFFFFC000  }
0xd4: {  	[hbm4b:s0+s18] =	stream.strided.scatter [tilespmem:s15], [sflag:$0x7], $0x4000, s9, s18, $0x38;
	[tilespmem:$0x1D080] =	vst v63  }
0xd5: {  	_ =	swait.ge [sflag:s21], $0x4000  }
0xd6: {  	[sflag:s21] =	ssyncset.done $0x0  }
0xd7: {  	[sflag:s21] =	ssyncadd.s32 $0xFFFFC000  }
0xd8: {  	[tilespmem:s13], [sflag:$0x1] =	stream.indirect.gather [spmem:s2], $0x80, s8, s12, $0xb8;
	[tilespmem:$0x1D080] =	vst v63  }
0xd9: {  	_ =	swait.ge [sflag:s22], $0x4000  }
0xda: {  	[sflag:s22] =	ssyncset.done $0x0  }
0xdb: {  	[sflag:s22] =	ssyncadd.s32 $0xFFFFC000  }
0xdc: {  	[hbm4b:s6+s18] =	stream.strided.scatter [tilespmem:s16], [sflag:$0x8], $0x4000, s9, s18, $0x38;
	[tilespmem:$0x1D080] =	vst v63  }
0xdd: {  	_ =	swait.ge [sflag:s17], $0x4000  }
0xde: {  	[sflag:s17] =	ssyncset.done $0x0  }
0xdf: {  	[sflag:s17] =	ssyncadd.s32 $0xFFFFC000  }
0xe0: {  	[hbm4b:s7+s18] =	stream.strided.scatter [tilespmem:s13], [sflag:$0x5], $0x4000, s9, s18, $0x38;
	[tilespmem:$0x1D080] =	vst v63  }
0xe1: {  	_ =	swait.ge [sflag:s23], $0x4000  }
0xe2: {  	[sflag:s23] =	ssyncset.done $0x0  }
0xe3: {  	[sflag:s23] =	ssyncadd.s32 $0xFFFFC000  }
0xe4: {  	_ =	swait.ge [sflag:s24], $0x4000  }
0xe5: {  	[sflag:s24] =	ssyncset.done $0x0  }
0xe6: {  	[sflag:s24] =	ssyncadd.s32 $0xFFFFC000  }
0xe7: {  	_ =	swait.ge [sflag:s26], $0x4000  }
0xe8: {  	[sflag:s26] =	ssyncset.done $0x0  }
0xe9: {  	[sflag:s26] =	ssyncadd.s32 $0xFFFFC000  }
0xea: {  	_ =	swait.ge [sflag:s21], $0x4000  }
0xeb: {  	[sflag:s21] =	ssyncset.done $0x0  }
0xec: {  	[sflag:s21] =	ssyncadd.s32 $0xFFFFC000  }
0xed: {  	_ =	swait.ge [sflag:s28], $0xC000  }
0xee: {  	[sflag:s28] =	ssyncset.done $0x0  }
0xef: {  	[sflag:s28] =	ssyncadd.s32 $0xFFFF4000  }
0xf0: {  	_ =	swait.ge [sflag:s28], $0xC000  }
0xf1: {  	[sflag:s28] =	ssyncset.done $0x0  }
0xf2: {  	[sflag:s28] =	ssyncadd.s32 $0xFFFF4000  }
0xf3: {  	_ =	swait.ge [sflag:s28], $0xC000  }
0xf4: {  	[sflag:s28] =	ssyncset.done $0x0  }
0xf5: {  	[sflag:s28] =	ssyncadd.s32 $0xFFFF4000  }
0xf6: {  	_ =	swait.ge [sflag:s28], $0xC000  }
0xf7: {  	[sflag:s28] =	ssyncset.done $0x0  }
0xf8: {  	[sflag:s28] =	ssyncadd.s32 $0xFFFF4000  }
0xf9: {  	_ =	swait.ge [sflag:s28], $0xC000  }
0xfa: {  	[sflag:s28] =	ssyncset.done $0x0  }
0xfb: {  	[sflag:s28] =	ssyncadd.s32 $0xFFFF4000  }
0xfc: {  	_ =	swait.ge [sflag:s28], $0xC000  }
0xfd: {  	[sflag:s28] =	ssyncset.done $0x0  }
0xfe: {  	[sflag:s28] =	ssyncadd.s32 $0xFFFF4000  }
0xff: {  	_ =	swait.ge [sflag:s28], $0xC000  }
0x100: {  	[sflag:s28] =	ssyncset.done $0x0  }
0x101: {  	[sflag:s28] =	ssyncadd.s32 $0xFFFF4000  }
0x102: {  	_ =	swait.ge [sflag:s28], $0xC000  }
0x103: {  	[sflag:s28] =	ssyncset.done $0x0  }
0x104: {  	[sflag:s28] =	ssyncadd.s32 $0xFFFF4000  }
0x105: {  	_ =	swait.ge [sflag:s28], $0xC000  }
0x106: {  	[sflag:s28] =	ssyncset.done $0x0  }
0x107: {  	[sflag:s28] =	ssyncadd.s32 $0xFFFF4000  }
0x108: {  	_ =	swait.ge [sflag:s28], $0xC000  }
0x109: {  	[sflag:s28] =	ssyncset.done $0x0  }
0x10a: {  	[sflag:s28] =	ssyncadd.s32 $0xFFFF4000  }
0x10b: {  	_ =	swait.ge [sflag:s28], $0xC000  }
0x10c: {  	[sflag:s28] =	ssyncset.done $0x0  }
0x10d: {  	[sflag:s28] =	ssyncadd.s32 $0xFFFF4000  }
0x10e: {  	_ =	swait.ge [sflag:s28], $0xC000  }
0x10f: {  	[sflag:s28] =	ssyncset.done $0x0  }
0x110: {  	[sflag:s28] =	ssyncadd.s32 $0xFFFF4000  }
0x111: {  	_ =	swait.ge [sflag:s28], $0xC000  }
0x112: {  	[sflag:s28] =	ssyncset.done $0x0  }
0x113: {  	[sflag:s28] =	ssyncadd.s32 $0xFFFF4000  }
0x114: {  	_ =	swait.ge [sflag:s28], $0xC000  }
0x115: {  	[sflag:s28] =	ssyncset.done $0x0  }
0x116: {  	[sflag:s28] =	ssyncadd.s32 $0xFFFF4000  }
0x117: {  	_ =	swait.ge [sflag:s28], $0xC000  }
0x118: {  	[sflag:s28] =	ssyncset.done $0x0  }
0x119: {  	[sflag:s28] =	ssyncadd.s32 $0xFFFF4000  }
0x11a: {  	_ =	swait.ge [sflag:s28], $0xC000  }
0x11b: {  	[sflag:s28] =	ssyncset.done $0x0  }
0x11c: {  	[sflag:s28] =	ssyncadd.s32 $0xFFFF4000  }
0x11d: {  	_ =	swait.ge [sflag:s28], $0xC000  }
0x11e: {  	[sflag:s28] =	ssyncset.done $0x0  }
0x11f: {  	[sflag:s28] =	ssyncadd.s32 $0xFFFF4000  }
0x120: {  	_ =	swait.ge [sflag:s28], $0xC000  }
0x121: {  	[sflag:s28] =	ssyncset.done $0x0  }
0x122: {  	[sflag:s28] =	ssyncadd.s32 $0xFFFF4000  }
0x123: {  	_ =	swait.ge [sflag:s28], $0xC000  }
0x124: {  	[sflag:s28] =	ssyncset.done $0x0  }
0x125: {  	[sflag:s28] =	ssyncadd.s32 $0xFFFF4000  }
0x126: {  	_ =	swait.ge [sflag:s28], $0xC000  }
0x127: {  	[sflag:s28] =	ssyncset.done $0x0  }
0x128: {  	[sflag:s28] =	ssyncadd.s32 $0xFFFF4000  }
0x129: {  	_ =	swait.ge [sflag:s28], $0xC000  }
0x12a: {  	[sflag:s28] =	ssyncset.done $0x0  }
0x12b: {  	[sflag:s28] =	ssyncadd.s32 $0xFFFF4000  }
0x12c: {  	_ =	swait.ge [sflag:s28], $0xC000  }
0x12d: {  	[sflag:s28] =	ssyncset.done $0x0  }
0x12e: {  	[sflag:s28] =	ssyncadd.s32 $0xFFFF4000  }
0x12f: {  	_ =	swait.ge [sflag:s28], $0xC000  }
0x130: {  	[sflag:s28] =	ssyncset.done $0x0  }
0x131: {  	[sflag:s28] =	ssyncadd.s32 $0xFFFF4000  }
0x132: {  	_ =	swait.ge [sflag:s28], $0xC000  }
0x133: {  	[sflag:s28] =	ssyncset.done $0x0  }
0x134: {  	[sflag:s28] =	ssyncadd.s32 $0xFFFF4000  }
0x135: {  	_ =	swait.ge [sflag:s28], $0xC000  }
0x136: {  	s29 =	sadd.s32 $0x1, s29;
	s31 =	rddreg [dreg:$0x18]  }
0x137: {  	p1 =	sne.s32 s29, s31  }
.Ltmp3:
0x138: {  	_ = 	snop;
	(pc) =	sbr.rel @p1 .LBB2_1-.Ltmp3, $3  }
0x139: {  	_ =	sdelay $0x1  }
0x13a: {  	[sflag:s28] =	ssyncset.done $0x0  }
0x13b: {  	[sflag:s28] =	ssyncadd.s32 $0xFFFF4000  }
0x13c: {  	_ =	sfence.sel $0x180000  }
0x13d: {  	[bflag:$0x0] =	sbarrier.arrive $0xFFFF  }
0x13e: {  	_ =	strace $0x90000047  }
0x13f: {  	[bflag:$0x2] =	sbarrier.arrive $0xFFFF  }
0x140: {  	s0 =	rddreg [dreg:$0x4]  }
0x141: {  	s0 =	sadd.s32 @!p0 $0x100000, s0  }
0x142: {  	[sflag:s0] =	ssyncadd.tile.s32 @!p0 $0x1;
	_ =	shalt  }
.Lfunc_end2:
_tile_overlayer_lowered:
.L_overlay_start_2:
0x143: {  	(tag) =	ssettag $0x2  }
0x144: {  	s0 =	rddreg [dreg:$0x0];
	s2 =	stileid.u32  }
0x145: {  	s1 =	rddreg [dreg:$0x1];
	p0 =	sne.s32 s2, $0x0  }
0x146: {  	s3 =	rddreg [dreg:$0x2];
	[bflag:$0x3] =	sbarrier.arrive $0xFFFF;
	s2 =	simm.s32 @!p0 $0x1C0B  }
0x147: {  	[timem:s3], [sflag:s2] =	dma.local @!p0 [hbm:s0], s1  }
0x148: {  	s0 =	simm.s32 @!p0 $0xB  }
0x149: {  	_ =	swait.ge @!p0 [sflag:s0], s1  }
0x14a: {  	s1 =	ssub.s32 @!p0 $0x0, s1;
	[sflag:s0] =	ssyncset.done @!p0 $0x0  }
0x14b: {  	[sflag:s0] =	ssyncadd.s32 @!p0 s1  }
0x14c: {  	[bflag:$0x3] =	sbarrier.arrive $0xFFFF  }
0x14d: {  	_ =	shalt  }

</sc_bundles>
